<compile_context>
chip_gen: v7x
topology: tpu7x:2x2x1
jax: 0.10.2.dev20260603
libtpu: 0.0.44.dev20260713+nightly
codegen_flags: <defaults>
</compile_context>

<pallas_src>
import functools

import jax
import jax.numpy as jnp
from jax import lax
from jax.experimental import pallas as pl
from jax.experimental.pallas import tpu as pltpu
from jax.experimental.pallas import tpu_sc as plsc

_NC = 2
_NS = 16
_C = 80


def _mish(y):
    sp = jnp.maximum(y, 0.0) + jnp.log1p(jnp.exp(-jnp.abs(y)))
    return y * jnp.tanh(sp)


def _dense_mish_body(x_ref, w_ref, b_ref, o_ref):
    y = jnp.dot(x_ref[...].astype(jnp.bfloat16),
                w_ref[...].astype(jnp.bfloat16),
                preferred_element_type=jnp.float32)
    o_ref[...] = _mish(y + b_ref[...])


def _dense_mish(x, W, b, blk):
    R, D = x.shape
    return pl.pallas_call(
        _dense_mish_body,
        grid=(R // blk,),
        in_specs=[
            pl.BlockSpec((blk, D), lambda i: (i, 0)),
            pl.BlockSpec((D, D), lambda i: (0, 0)),
            pl.BlockSpec((1, D), lambda i: (0, 0)),
        ],
        out_specs=pl.BlockSpec((blk, D), lambda i: (i, 0)),
        out_shape=jax.ShapeDtypeStruct((R, D), jnp.float32),
    )(x, W, b.reshape(1, D))


def _proj_body(hx_ref, p0_ref, w_ref, b_ref, o_ref):
    acc = hx_ref[...] + p0_ref[...]
    y = jnp.dot(acc.astype(jnp.bfloat16), w_ref[...].astype(jnp.bfloat16),
                preferred_element_type=jnp.float32)
    o_ref[...] = _mish(y + b_ref[...])


def _proj(hx, p0, W, b, blk):
    R, D = hx.shape
    return pl.pallas_call(
        _proj_body,
        grid=(R // blk,),
        in_specs=[
            pl.BlockSpec((blk, D), lambda i: (i, 0)),
            pl.BlockSpec((blk, D), lambda i: (i, 0)),
            pl.BlockSpec((D, D), lambda i: (0, 0)),
            pl.BlockSpec((1, D), lambda i: (0, 0)),
        ],
        out_specs=pl.BlockSpec((blk, D), lambda i: (i, 0)),
        out_shape=jax.ShapeDtypeStruct((R, D), jnp.float32),
    )(hx, p0, W, b.reshape(1, D))


_W = 6
_HALF = 5120
_TRASH = 128
_ACC_R = _HALF + _TRASH
_RPT_Z = _ACC_R // _NS
_RPT_O = _HALF // _NS


def _pack_dst_flags(dst):
    s1 = jnp.zeros(dst.shape, jnp.bool_)
    for dlt in range(1, _W + 1):
        s1 = s1 | (dst == jnp.roll(dst, -dlt))
    s2 = jnp.zeros(dst.shape, jnp.bool_)
    for dlt in range(1, _W + 1):
        s2 = s2 | ((dst == jnp.roll(dst, -dlt)) & jnp.roll(s1, -dlt))
    return dst * 4 + s1.astype(jnp.int32) + 2 * s2.astype(jnp.int32)


def _sc_agg(hx, he, src, dstf):
    N, D = hx.shape
    E = he.shape[0]
    ept = E // _NS
    nchunk = ept // _C

    mesh = plsc.VectorSubcoreMesh(core_axis_name="c", subcore_axis_name="s",
                                  num_cores=2)

    def body(hx_hbm, he_hbm, src_hbm, dstf_hbm, out_hbm,
             src_v, da_v, db_v, dc_v, dx_v, m_v, g_v, z_v, acc_sh):
        c = lax.axis_index("c")
        s = lax.axis_index("s")
        node_base = c * _HALF

        def zrow(r, carry):
            for k in range(8):
                z_v[r, pl.ds(k * 16, 16)] = jnp.zeros((16,), jnp.float32)
            return carry
        lax.fori_loop(0, _RPT_Z, zrow, 0)
        pltpu.sync_copy(z_v, acc_sh.at[pl.ds(s * _RPT_Z, _RPT_Z)])
        plsc.subcore_barrier()

        def chunk(j, carry):
            base = s * ept + j * _C
            pltpu.sync_copy(src_hbm.at[pl.ds(base, _C)], src_v)
            pltpu.sync_copy(dstf_hbm.at[pl.ds(base, _C)], dx_v)
            pltpu.sync_copy(he_hbm.at[pl.ds(base, _C)], m_v)
            pltpu.sync_copy(hx_hbm.at[src_v], g_v)

            for q in range(_C // 16):
                sl = pl.ds(q * 16, 16)
                dval = lax.shift_right_logical(dx_v[sl], 2)
                local = dval - node_base
                inr = (local >= 0) & (local < _HALF)
                trash = lax.iota(jnp.int32, 16) + (_HALF + q * 16)
                da_v[sl] = jnp.where(inr, local, trash)

            def rb(r, cc):
                for k in range(8):
                    slk = pl.ds(k * 16, 16)
                    m_v[r, slk] = jnp.maximum(m_v[r, slk] + g_v[r, slk],
                                              0.0)
                return cc
            lax.fori_loop(0, _C, rb, 0)

            pltpu.sync_copy(m_v, acc_sh.at[da_v], add=True)
            return carry
        lax.fori_loop(0, nchunk, chunk, 0)
        plsc.subcore_barrier()

        rows = pl.ds(s * _RPT_O, _RPT_O)
        orows = pl.ds(node_base + s * _RPT_O, _RPT_O)
        pltpu.sync_copy(acc_sh.at[rows], out_hbm.at[orows])

    f = pl.kernel(
        body,
        out_type=(),
        mesh=mesh,
        scratch_types=[
            pltpu.VMEM((_C,), jnp.int32),
            pltpu.VMEM((_C,), jnp.int32),
            pltpu.VMEM((_C,), jnp.int32),
            pltpu.VMEM((_C,), jnp.int32),
            pltpu.VMEM((_C,), jnp.int32),
            pltpu.VMEM((_C, D), jnp.float32),
            pltpu.VMEM((_C, D), jnp.float32),
            pltpu.VMEM((_RPT_Z, D), jnp.float32),
            pltpu.VMEM_SHARED((_ACC_R, D), jnp.float32),
        ],
    )
    out_ref = jax.new_ref(jnp.zeros((2 * _HALF, D), jnp.float32))
    f(hx, he, src, dstf, out_ref)
    return out_ref[...]


def _pool_body(gid_ref, h_ref, gamma_ref, beta_ref, wout_ref, bout_ref,
               o_ref, sums_ref, cnts_ref):
    i = pl.program_id(0)
    nsteps = pl.num_programs(0)
    G = sums_ref.shape[0]

    @pl.when(i == 0)
    def _():
        sums_ref[...] = jnp.zeros_like(sums_ref)
        cnts_ref[...] = jnp.zeros_like(cnts_ref)

    gid = gid_ref[...].reshape(1, -1)
    onehot = (lax.broadcasted_iota(jnp.int32, (G, gid.shape[1]), 0)
              == gid).astype(jnp.float32)
    sums_ref[...] += jnp.dot(onehot, h_ref[...],
                             preferred_element_type=jnp.float32,
                             precision=lax.Precision.HIGHEST)
    cnts_ref[...] += jnp.sum(onehot, axis=1, keepdims=True)

    @pl.when(i == nsteps - 1)
    def _():
        pooled = sums_ref[...] / jnp.maximum(cnts_ref[...], 1.0)
        mu = jnp.mean(pooled, axis=0, keepdims=True)
        var = jnp.mean((pooled - mu) ** 2, axis=0, keepdims=True)
        xn = (pooled - mu) * lax.rsqrt(var + 1e-5)
        xn = xn * gamma_ref[...] + beta_ref[...]
        o_ref[...] = jnp.dot(xn.astype(jnp.bfloat16),
                             wout_ref[...].astype(jnp.bfloat16),
                             preferred_element_type=jnp.float32) + bout_ref[...]


def _pool_bn_head(h, graph_ids, gamma, beta, W_out, b_out, G, blk):
    N, D = h.shape
    nsteps = N // blk
    gid3 = graph_ids.reshape(nsteps, 1, blk)
    return pl.pallas_call(
        _pool_body,
        grid=(nsteps,),
        in_specs=[
            pl.BlockSpec((1, 1, blk), lambda i: (i, 0, 0)),
            pl.BlockSpec((blk, D), lambda i: (i, 0)),
            pl.BlockSpec((1, D), lambda i: (0, 0)),
            pl.BlockSpec((1, D), lambda i: (0, 0)),
            pl.BlockSpec((D, 1), lambda i: (0, 0)),
            pl.BlockSpec((1, 1), lambda i: (0, 0)),
        ],
        out_specs=pl.BlockSpec((G, 1), lambda i: (0, 0)),
        out_shape=jax.ShapeDtypeStruct((G, 1), jnp.float32),
        scratch_shapes=[
            pltpu.VMEM((G, D), jnp.float32),
            pltpu.VMEM((G, 1), jnp.float32),
        ],
    )(gid3, h, gamma.reshape(1, D), beta.reshape(1, D),
      W_out, b_out.reshape(1, 1))


def kernel(x, edge_attr, edge_index, graph_ids,
           W_d0, b_d0, W_e0, b_e0, W_p0, b_p0,
           W_d1, b_d1, W_e1, b_e1, W_p1, b_p1,
           gamma, beta, W_out, b_out):
    N, D = x.shape
    E = edge_attr.shape[0]
    G = 256
    src = edge_index[0]
    dst = edge_index[1]

    dstf = _pack_dst_flags(dst)
    h = x
    for (Wd, bd, We, be, Wp, bp) in (
            (W_d0, b_d0, W_e0, b_e0, W_p0, b_p0),
            (W_d1, b_d1, W_e1, b_e1, W_p1, b_p1)):
        hx = _dense_mish(h, Wd, bd, blk=2000)
        he = _dense_mish(edge_attr, We, be, blk=2000)
        p0 = _sc_agg(hx, he, src, dstf)
        h = _proj(hx, p0, Wp, bp, blk=2000)

    return _pool_bn_head(h, graph_ids, gamma, beta, W_out, b_out, G, blk=1000)

# --- scband reference (transcript-rebuilt; emitter-appended) ---
"""Pipeline reference for scband-cr-akn-30554397343954 (READ-ONLY COPY).

The authoritative reference and input builder live on the scoring server;
editing this copy changes nothing except your own understanding.
"""

import jax, jax.numpy as jnp
import numpy as np

N = 10000
E = 320000
D = 128
G = 256


def mish(x):
    return x * jnp.tanh(jax.nn.softplus(x))


def setup_inputs(seed: int = 0) -> dict:
    key = jax.random.key(seed)
    ks = jax.random.split(key, 24)
    s = 1.0 / np.sqrt(D)
    inp = {}
    inp["x"] = jax.random.normal(ks[0], (N, D), jnp.float32)
    inp["edge_attr"] = jax.random.normal(ks[1], (E, D), jnp.float32)
    inp["edge_index"] = jax.random.randint(ks[2], (2, E), 0, N, dtype=jnp.int32)
    inp["graph_ids"] = jnp.sort(jax.random.randint(ks[3], (N,), 0, G, dtype=jnp.int32))
    # learned parameters for 2 CrAKNLayers (dense, dense_edge, proj_out) + bn + out head
    names = []
    for i in range(2):
        names += [f"W_d{i}", f"W_e{i}", f"W_p{i}"]
    for j, nm in enumerate(names):
        inp[nm] = jax.random.normal(ks[4 + j], (D, D), jnp.float32) * s
        inp[nm.replace("W", "b")] = jnp.zeros((D,), jnp.float32)
    inp["gamma"] = jnp.ones((D,), jnp.float32)
    inp["beta"] = jnp.zeros((D,), jnp.float32)
    inp["W_out"] = jax.random.normal(ks[20], (D, 1), jnp.float32) * s
    inp["b_out"] = jnp.zeros((1,), jnp.float32)
    return inp


def reference(x, edge_attr, edge_index, graph_ids,
              W_d0, b_d0, W_e0, b_e0, W_p0, b_p0,
              W_d1, b_d1, W_e1, b_e1, W_p1, b_p1,
              gamma, beta, W_out, b_out):
    src = edge_index[0]
    dst = edge_index[1]
    h = x
    layer_params = [(W_d0, b_d0, W_e0, b_e0, W_p0, b_p0),
                    (W_d1, b_d1, W_e1, b_e1, W_p1, b_p1)]
    for (Wd, bd, We, be, Wp, bp) in layer_params:
        # CrAKNLayer: dense + Mish on nodes and edges
        hx = mish(h @ Wd + bd)
        he = mish(edge_attr @ We + be)
        # GINEConv: message = relu(x_src + e), sum-aggregate, (1+eps)*x + agg with eps=0
        m = jax.nn.relu(hx[src] + he)
        agg = jax.ops.segment_sum(m, dst, num_segments=N)
        out = hx + agg
        h = mish(out @ Wp + bp)
    # AvgPooling per graph
    sums = jax.ops.segment_sum(h, graph_ids, num_segments=G)
    counts = jax.ops.segment_sum(jnp.ones((h.shape[0], 1), h.dtype), graph_ids, num_segments=G)
    pooled = sums / jnp.clip(counts, 1.0)
    # BatchNorm1d (training-mode batch statistics)
    mu = pooled.mean(axis=0)
    var = pooled.var(axis=0)
    xn = (pooled - mu) / jnp.sqrt(var + 1e-5)
    xn = xn * gamma + beta
    return xn @ W_out + b_out

if __name__ == "__main__":
    import jax
    _d = setup_inputs()
    print(jax.jit(kernel)(*tuple(_d.values())))

</pallas_src>

<mosaic_0001>
#map = affine_map<(d0, d1) -> (0, 0)>
#map1 = affine_map<(d0, d1) -> (0)>
module attributes {stable_mosaic.version = 14 : i64} {
  func.func @new_body(%arg0: i32, %arg1: i32, %arg2: memref<10000x128xf32, #tpu.memory_space<hbm>>, %arg3: memref<320000x128xf32, #tpu.memory_space<hbm>>, %arg4: memref<320000xi32, #tpu.memory_space<hbm>>, %arg5: memref<320000xi32, #tpu.memory_space<hbm>>, %arg6: memref<10240x128xf32, #tpu.memory_space<hbm>>, %arg7: memref<10240x128xf32, #tpu.memory_space<hbm>>, %arg8: memref<80xi32, #tpu.memory_space<vmem>>, %arg9: memref<80xi32, #tpu.memory_space<vmem>>, %arg10: memref<80xi32, #tpu.memory_space<vmem>>, %arg11: memref<80xi32, #tpu.memory_space<vmem>>, %arg12: memref<80xi32, #tpu.memory_space<vmem>>, %arg13: memref<80x128xf32, #tpu.memory_space<vmem>>, %arg14: memref<80x128xf32, #tpu.memory_space<vmem>>, %arg15: memref<328x128xf32, #tpu.memory_space<vmem>>, %arg16: memref<5248x128xf32, #tpu.memory_space<vmem_shared>>) attributes {dimension_semantics = [#tpu.dimension_semantics<core_parallel>, #tpu.dimension_semantics<subcore_parallel>], iteration_bounds = array<i64: 2, 16>, scalar_prefetch = 0 : i64, scratch_operands = 9 : i64, tpu.core_type = #tpu.core_type<sc_vector_subcore>, window_params = [{transform_indices = #map}, {transform_indices = #map}, {transform_indices = #map1}, {transform_indices = #map1}, {transform_indices = #map}, {transform_indices = #map}]} {
    %mul3A = arith.constant 5120 : i32
    %mul3A_0 = arith.muli %arg0, %mul3A : i32
    %scan3A = arith.constant 0 : i32
    %scan3A_1 = arith.constant 0 : i32
    %scan3A_2 = arith.constant 328 : i32
    %scan3A_3 = arith.addi %scan3A_1, %scan3A_2 : i32
    %scan3A_4 = arith.constant 1 : i32
    scf.for %scan3A_19 = %scan3A_1 to %scan3A_3 step %scan3A_4  : i32 {
      %broadcast_in_dim3A = arith.constant 0.000000e+00 : f32
      %broadcast_in_dim3A_20 = vector.broadcast %broadcast_in_dim3A : f32 to vector<16xf32>
      %swap3A = arith.index_cast %scan3A_19 : i32 to index
      %swap3A_21 = arith.constant 0 : index
      %swap3A_22 = tpu.vector_load %arg15[%swap3A, %swap3A_21] {strides = array<i32>} : memref<328x128xf32, #tpu.memory_space<vmem>>, vector<1x16xf32>,
      %swap3A_23 = vector.shape_cast %swap3A_22 : vector<1x16xf32> to vector<16xf32>
      %swap3A_24 = vector.shape_cast %broadcast_in_dim3A_20 : vector<16xf32> to vector<1x16xf32>
      tpu.vector_store %arg15[%swap3A, %swap3A_21], %swap3A_24 {strides = array<i32>} : memref<328x128xf32, #tpu.memory_space<vmem>>, vector<1x16xf32>,
      %broadcast_in_dim3A_25 = arith.constant 0.000000e+00 : f32
      %broadcast_in_dim3A_26 = vector.broadcast %broadcast_in_dim3A_25 : f32 to vector<16xf32>
      %swap3A_27 = arith.index_cast %scan3A_19 : i32 to index
      %swap3A_28 = arith.constant 16 : index
      %swap3A_29 = tpu.vector_load %arg15[%swap3A_27, %swap3A_28] {strides = array<i32>} : memref<328x128xf32, #tpu.memory_space<vmem>>, vector<1x16xf32>,
      %swap3A_30 = vector.shape_cast %swap3A_29 : vector<1x16xf32> to vector<16xf32>
      %swap3A_31 = vector.shape_cast %broadcast_in_dim3A_26 : vector<16xf32> to vector<1x16xf32>
      tpu.vector_store %arg15[%swap3A_27, %swap3A_28], %swap3A_31 {strides = array<i32>} : memref<328x128xf32, #tpu.memory_space<vmem>>, vector<1x16xf32>,
      %broadcast_in_dim3A_32 = arith.constant 0.000000e+00 : f32
      %broadcast_in_dim3A_33 = vector.broadcast %broadcast_in_dim3A_32 : f32 to vector<16xf32>
      %swap3A_34 = arith.index_cast %scan3A_19 : i32 to index
      %swap3A_35 = arith.constant 32 : index
      %swap3A_36 = tpu.vector_load %arg15[%swap3A_34, %swap3A_35] {strides = array<i32>} : memref<328x128xf32, #tpu.memory_space<vmem>>, vector<1x16xf32>,
      %swap3A_37 = vector.shape_cast %swap3A_36 : vector<1x16xf32> to vector<16xf32>
      %swap3A_38 = vector.shape_cast %broadcast_in_dim3A_33 : vector<16xf32> to vector<1x16xf32>
      tpu.vector_store %arg15[%swap3A_34, %swap3A_35], %swap3A_38 {strides = array<i32>} : memref<328x128xf32, #tpu.memory_space<vmem>>, vector<1x16xf32>,
      %broadcast_in_dim3A_39 = arith.constant 0.000000e+00 : f32
      %broadcast_in_dim3A_40 = vector.broadcast %broadcast_in_dim3A_39 : f32 to vector<16xf32>
      %swap3A_41 = arith.index_cast %scan3A_19 : i32 to index
      %swap3A_42 = arith.constant 48 : index
      %swap3A_43 = tpu.vector_load %arg15[%swap3A_41, %swap3A_42] {strides = array<i32>} : memref<328x128xf32, #tpu.memory_space<vmem>>, vector<1x16xf32>,
      %swap3A_44 = vector.shape_cast %swap3A_43 : vector<1x16xf32> to vector<16xf32>
      %swap3A_45 = vector.shape_cast %broadcast_in_dim3A_40 : vector<16xf32> to vector<1x16xf32>
      tpu.vector_store %arg15[%swap3A_41, %swap3A_42], %swap3A_45 {strides = array<i32>} : memref<328x128xf32, #tpu.memory_space<vmem>>, vector<1x16xf32>,
      %broadcast_in_dim3A_46 = arith.constant 0.000000e+00 : f32
      %broadcast_in_dim3A_47 = vector.broadcast %broadcast_in_dim3A_46 : f32 to vector<16xf32>
      %swap3A_48 = arith.index_cast %scan3A_19 : i32 to index
      %swap3A_49 = arith.constant 64 : index
      %swap3A_50 = tpu.vector_load %arg15[%swap3A_48, %swap3A_49] {strides = array<i32>} : memref<328x128xf32, #tpu.memory_space<vmem>>, vector<1x16xf32>,
      %swap3A_51 = vector.shape_cast %swap3A_50 : vector<1x16xf32> to vector<16xf32>
      %swap3A_52 = vector.shape_cast %broadcast_in_dim3A_47 : vector<16xf32> to vector<1x16xf32>
      tpu.vector_store %arg15[%swap3A_48, %swap3A_49], %swap3A_52 {strides = array<i32>} : memref<328x128xf32, #tpu.memory_space<vmem>>, vector<1x16xf32>,
      %broadcast_in_dim3A_53 = arith.constant 0.000000e+00 : f32
      %broadcast_in_dim3A_54 = vector.broadcast %broadcast_in_dim3A_53 : f32 to vector<16xf32>
      %swap3A_55 = arith.index_cast %scan3A_19 : i32 to index
      %swap3A_56 = arith.constant 80 : index
      %swap3A_57 = tpu.vector_load %arg15[%swap3A_55, %swap3A_56] {strides = array<i32>} : memref<328x128xf32, #tpu.memory_space<vmem>>, vector<1x16xf32>,
      %swap3A_58 = vector.shape_cast %swap3A_57 : vector<1x16xf32> to vector<16xf32>
      %swap3A_59 = vector.shape_cast %broadcast_in_dim3A_54 : vector<16xf32> to vector<1x16xf32>
      tpu.vector_store %arg15[%swap3A_55, %swap3A_56], %swap3A_59 {strides = array<i32>} : memref<328x128xf32, #tpu.memory_space<vmem>>, vector<1x16xf32>,
      %broadcast_in_dim3A_60 = arith.constant 0.000000e+00 : f32
      %broadcast_in_dim3A_61 = vector.broadcast %broadcast_in_dim3A_60 : f32 to vector<16xf32>
      %swap3A_62 = arith.index_cast %scan3A_19 : i32 to index
      %swap3A_63 = arith.constant 96 : index
      %swap3A_64 = tpu.vector_load %arg15[%swap3A_62, %swap3A_63] {strides = array<i32>} : memref<328x128xf32, #tpu.memory_space<vmem>>, vector<1x16xf32>,
      %swap3A_65 = vector.shape_cast %swap3A_64 : vector<1x16xf32> to vector<16xf32>
      %swap3A_66 = vector.shape_cast %broadcast_in_dim3A_61 : vector<16xf32> to vector<1x16xf32>
      tpu.vector_store %arg15[%swap3A_62, %swap3A_63], %swap3A_66 {strides = array<i32>} : memref<328x128xf32, #tpu.memory_space<vmem>>, vector<1x16xf32>,
      %broadcast_in_dim3A_67 = arith.constant 0.000000e+00 : f32
      %broadcast_in_dim3A_68 = vector.broadcast %broadcast_in_dim3A_67 : f32 to vector<16xf32>
      %swap3A_69 = arith.index_cast %scan3A_19 : i32 to index
      %swap3A_70 = arith.constant 112 : index
      %swap3A_71 = tpu.vector_load %arg15[%swap3A_69, %swap3A_70] {strides = array<i32>} : memref<328x128xf32, #tpu.memory_space<vmem>>, vector<1x16xf32>,
      %swap3A_72 = vector.shape_cast %swap3A_71 : vector<1x16xf32> to vector<16xf32>
      %swap3A_73 = vector.shape_cast %broadcast_in_dim3A_68 : vector<16xf32> to vector<1x16xf32>
      tpu.vector_store %arg15[%swap3A_69, %swap3A_70], %swap3A_73 {strides = array<i32>} : memref<328x128xf32, #tpu.memory_space<vmem>>, vector<1x16xf32>,
    }
    %scan3A_5 = arith.constant 328 : i32
    %mul3A_6 = arith.constant 328 : i32
    %mul3A_7 = arith.muli %arg1, %mul3A_6 : i32
    "tpu.region"() ({
      %run_scoped3A = tpu.sem_alloc : memref<!tpu.dma_semaphore, #tpu.memory_space<semaphore_mem>>
      %dma_start3A = arith.constant 0 : i32
      %dma_start3A_19 = tpu.memref_slice %arg16[%mul3A_7, %dma_start3A] : memref<5248x128xf32, #tpu.memory_space<vmem_shared>> -> memref<328x128xf32, #tpu.memory_space<vmem_shared>>
      %dma_start3A_20 = arith.constant 0 : i32
      %dma_start3A_21 = tpu.memref_slice %arg16[%mul3A_7, %dma_start3A_20] : memref<5248x128xf32, #tpu.memory_space<vmem_shared>> -> memref<328x128xf32, #tpu.memory_space<vmem_shared>>
      tpu.enqueue_dma source(%arg15 : memref<328x128xf32, #tpu.memory_space<vmem>>) target(%dma_start3A_21 : memref<328x128xf32, #tpu.memory_space<vmem_shared>>) target_semaphore(%run_scoped3A : memref<!tpu.dma_semaphore, #tpu.memory_space<semaphore_mem>>)
      %dma_wait3A = arith.constant 0 : i32
      %dma_wait3A_22 = tpu.memref_slice %arg16[%mul3A_7, %dma_wait3A] : memref<5248x128xf32, #tpu.memory_space<vmem_shared>> -> memref<328x128xf32, #tpu.memory_space<vmem_shared>>
      %dma_wait3A_23 = arith.constant 0 : i32
      %dma_wait3A_24 = tpu.memref_slice %arg16[%mul3A_7, %dma_wait3A_23] : memref<5248x128xf32, #tpu.memory_space<vmem_shared>> -> memref<328x128xf32, #tpu.memory_space<vmem_shared>>
      tpu.wait_dma2 semaphore(%run_scoped3A : memref<!tpu.dma_semaphore, #tpu.memory_space<semaphore_mem>>) src(%arg15 : memref<328x128xf32, #tpu.memory_space<vmem>>) dst(%dma_wait3A_24 : memref<328x128xf32, #tpu.memory_space<vmem_shared>>)
      tpu.yield
    }) : () -> ()
    %barrier3A = arith.constant 0 : index
    tpu.barrier barrier_id(%barrier3A)
    %scan3A_8 = arith.constant 0 : i32
    %scan3A_9 = arith.constant 0 : i32
    %scan3A_10 = arith.constant 250 : i32
    %scan3A_11 = arith.addi %scan3A_9, %scan3A_10 : i32
    %scan3A_12 = arith.constant 1 : i32
    scf.for %scan3A_19 = %scan3A_9 to %scan3A_11 step %scan3A_12  : i32 {
      %mul3A_20 = arith.constant 20000 : i32
      %mul3A_21 = arith.muli %arg1, %mul3A_20 : i32
      %mul3A_22 = arith.constant 80 : i32
      %mul3A_23 = arith.muli %scan3A_19, %mul3A_22 : i32
      %add3A_24 = arith.addi %mul3A_21, %mul3A_23 : i32
      "tpu.region"() ({
        %run_scoped3A = tpu.sem_alloc : memref<!tpu.dma_semaphore, #tpu.memory_space<semaphore_mem>>
        %dma_start3A = tpu.memref_slice %arg4[%add3A_24] : memref<320000xi32, #tpu.memory_space<hbm>> -> memref<80xi32, #tpu.memory_space<hbm>>
        %dma_start3A_142 = tpu.memref_slice %arg4[%add3A_24] : memref<320000xi32, #tpu.memory_space<hbm>> -> memref<80xi32, #tpu.memory_space<hbm>>
        tpu.enqueue_dma source(%dma_start3A_142 : memref<80xi32, #tpu.memory_space<hbm>>) target(%arg8 : memref<80xi32, #tpu.memory_space<vmem>>) target_semaphore(%run_scoped3A : memref<!tpu.dma_semaphore, #tpu.memory_space<semaphore_mem>>)
        %dma_wait3A = tpu.memref_slice %arg4[%add3A_24] : memref<320000xi32, #tpu.memory_space<hbm>> -> memref<80xi32, #tpu.memory_space<hbm>>
        %dma_wait3A_143 = tpu.memref_slice %arg4[%add3A_24] : memref<320000xi32, #tpu.memory_space<hbm>> -> memref<80xi32, #tpu.memory_space<hbm>>
        tpu.wait_dma2 semaphore(%run_scoped3A : memref<!tpu.dma_semaphore, #tpu.memory_space<semaphore_mem>>) src(%dma_wait3A_143 : memref<80xi32, #tpu.memory_space<hbm>>) dst(%arg8 : memref<80xi32, #tpu.memory_space<vmem>>)
        tpu.yield
      }) : () -> ()
      "tpu.region"() ({
        %run_scoped3A = tpu.sem_alloc : memref<!tpu.dma_semaphore, #tpu.memory_space<semaphore_mem>>
        %dma_start3A = tpu.memref_slice %arg5[%add3A_24] : memref<320000xi32, #tpu.memory_space<hbm>> -> memref<80xi32, #tpu.memory_space<hbm>>
        %dma_start3A_142 = tpu.memref_slice %arg5[%add3A_24] : memref<320000xi32, #tpu.memory_space<hbm>> -> memref<80xi32, #tpu.memory_space<hbm>>
        tpu.enqueue_dma source(%dma_start3A_142 : memref<80xi32, #tpu.memory_space<hbm>>) target(%arg12 : memref<80xi32, #tpu.memory_space<vmem>>) target_semaphore(%run_scoped3A : memref<!tpu.dma_semaphore, #tpu.memory_space<semaphore_mem>>)
        %dma_wait3A = tpu.memref_slice %arg5[%add3A_24] : memref<320000xi32, #tpu.memory_space<hbm>> -> memref<80xi32, #tpu.memory_space<hbm>>
        %dma_wait3A_143 = tpu.memref_slice %arg5[%add3A_24] : memref<320000xi32, #tpu.memory_space<hbm>> -> memref<80xi32, #tpu.memory_space<hbm>>
        tpu.wait_dma2 semaphore(%run_scoped3A : memref<!tpu.dma_semaphore, #tpu.memory_space<semaphore_mem>>) src(%dma_wait3A_143 : memref<80xi32, #tpu.memory_space<hbm>>) dst(%arg12 : memref<80xi32, #tpu.memory_space<vmem>>)
        tpu.yield
      }) : () -> ()
      "tpu.region"() ({
        %run_scoped3A = tpu.sem_alloc : memref<!tpu.dma_semaphore, #tpu.memory_space<semaphore_mem>>
        %dma_start3A = arith.constant 0 : i32
        %dma_start3A_142 = tpu.memref_slice %arg3[%add3A_24, %dma_start3A] : memref<320000x128xf32, #tpu.memory_space<hbm>> -> memref<80x128xf32, #tpu.memory_space<hbm>>
        %dma_start3A_143 = arith.constant 0 : i32
        %dma_start3A_144 = tpu.memref_slice %arg3[%add3A_24, %dma_start3A_143] : memref<320000x128xf32, #tpu.memory_space<hbm>> -> memref<80x128xf32, #tpu.memory_space<hbm>>
        tpu.enqueue_dma source(%dma_start3A_144 : memref<80x128xf32, #tpu.memory_space<hbm>>) target(%arg13 : memref<80x128xf32, #tpu.memory_space<vmem>>) target_semaphore(%run_scoped3A : memref<!tpu.dma_semaphore, #tpu.memory_space<semaphore_mem>>)
        %dma_wait3A = arith.constant 0 : i32
        %dma_wait3A_145 = tpu.memref_slice %arg3[%add3A_24, %dma_wait3A] : memref<320000x128xf32, #tpu.memory_space<hbm>> -> memref<80x128xf32, #tpu.memory_space<hbm>>
        %dma_wait3A_146 = arith.constant 0 : i32
        %dma_wait3A_147 = tpu.memref_slice %arg3[%add3A_24, %dma_wait3A_146] : memref<320000x128xf32, #tpu.memory_space<hbm>> -> memref<80x128xf32, #tpu.memory_space<hbm>>
        tpu.wait_dma2 semaphore(%run_scoped3A : memref<!tpu.dma_semaphore, #tpu.memory_space<semaphore_mem>>) src(%dma_wait3A_147 : memref<80x128xf32, #tpu.memory_space<hbm>>) dst(%arg13 : memref<80x128xf32, #tpu.memory_space<vmem>>)
        tpu.yield
      }) : () -> ()
      "tpu.region"() ({
        %run_scoped3A = tpu.sem_alloc : memref<!tpu.dma_semaphore, #tpu.memory_space<semaphore_mem>>
        %dma_start3A = arith.constant 0 : i32
        %dma_start3A_142 = arith.constant 0 : i32
        %dma_start3A_143 = tpu.memref_slice %arg2[%dma_start3A, %dma_start3A_142] : memref<10000x128xf32, #tpu.memory_space<hbm>> -> memref<10000x128xf32, #tpu.memory_space<hbm>>
        tpu.enqueue_indirect_dma source(%dma_start3A_143 : memref<10000x128xf32, #tpu.memory_space<hbm>>) target(%arg14 : memref<80x128xf32, #tpu.memory_space<vmem>>) offsets(%arg8 : memref<80xi32, #tpu.memory_space<vmem>>) semaphore(%run_scoped3A : memref<!tpu.dma_semaphore, #tpu.memory_space<semaphore_mem>>)
        %dma_wait3A = arith.constant 0 : i32
        %dma_wait3A_144 = arith.constant 0 : i32
        %dma_wait3A_145 = tpu.memref_slice %arg2[%dma_wait3A, %dma_wait3A_144] : memref<10000x128xf32, #tpu.memory_space<hbm>> -> memref<10000x128xf32, #tpu.memory_space<hbm>>
        tpu.wait_indirect_dma semaphore(%run_scoped3A : memref<!tpu.dma_semaphore, #tpu.memory_space<semaphore_mem>>) src(%dma_wait3A_145 : memref<10000x128xf32, #tpu.memory_space<hbm>>) dst(%arg14 : memref<80x128xf32, #tpu.memory_space<vmem>>)
        tpu.yield
      }) : () -> ()
      %get3A = arith.constant 0 : index
      %get3A_25 = tpu.vector_load %arg12[%get3A] {strides = array<i32>} : memref<80xi32, #tpu.memory_space<vmem>>, vector<16xi32>,
      %get3A_26 = vector.shape_cast %get3A_25 : vector<16xi32> to vector<16xi32>
      %shift_right_logical3A = arith.constant 2 : i32
      %shift_right_logical3A_27 = vector.broadcast %shift_right_logical3A : i32 to vector<16xi32>
      %shift_right_logical3A_28 = arith.shrui %get3A_26, %shift_right_logical3A_27 : vector<16xi32>
      %sub3A = vector.broadcast %mul3A_0 : i32 to vector<16xi32>
      %sub3A_29 = arith.subi %shift_right_logical3A_28, %sub3A : vector<16xi32>
      %ge3A = arith.constant 0 : i32
      %ge3A_30 = vector.broadcast %ge3A : i32 to vector<16xi32>
      %ge3A_31 = arith.cmpi sge, %sub3A_29, %ge3A_30 : vector<16xi32>
      %lt3A = arith.constant 5120 : i32
      %lt3A_32 = vector.broadcast %lt3A : i32 to vector<16xi32>
      %lt3A_33 = arith.cmpi slt, %sub3A_29, %lt3A_32 : vector<16xi32>
      %and3A = arith.andi %ge3A_31, %lt3A_33 : vector<16xi1>
      %iota3A = tpu.iota {dimensions = array<i32: 0>} : vector<16xi32>
      %add3A_34 = arith.constant 5120 : i32
      %add3A_35 = vector.broadcast %add3A_34 : i32 to vector<16xi32>
      %add3A_36 = arith.addi %iota3A, %add3A_35 : vector<16xi32>
      %select_n3A = arith.select %and3A, %sub3A_29, %add3A_36 : vector<16xi1>, vector<16xi32>
      %swap3A = arith.constant 0 : index
      %swap3A_37 = tpu.vector_load %arg9[%swap3A] {strides = array<i32>} : memref<80xi32, #tpu.memory_space<vmem>>, vector<16xi32>,
      %swap3A_38 = vector.shape_cast %swap3A_37 : vector<16xi32> to vector<16xi32>
      %swap3A_39 = vector.shape_cast %select_n3A : vector<16xi32> to vector<16xi32>
      tpu.vector_store %arg9[%swap3A], %swap3A_39 {strides = array<i32>} : memref<80xi32, #tpu.memory_space<vmem>>, vector<16xi32>,
      %get3A_40 = arith.constant 16 : index
      %get3A_41 = tpu.vector_load %arg12[%get3A_40] {strides = array<i32>} : memref<80xi32, #tpu.memory_space<vmem>>, vector<16xi32>,
      %get3A_42 = vector.shape_cast %get3A_41 : vector<16xi32> to vector<16xi32>
      %shift_right_logical3A_43 = arith.constant 2 : i32
      %shift_right_logical3A_44 = vector.broadcast %shift_right_logical3A_43 : i32 to vector<16xi32>
      %shift_right_logical3A_45 = arith.shrui %get3A_42, %shift_right_logical3A_44 : vector<16xi32>
      %sub3A_46 = vector.broadcast %mul3A_0 : i32 to vector<16xi32>
      %sub3A_47 = arith.subi %shift_right_logical3A_45, %sub3A_46 : vector<16xi32>
      %ge3A_48 = arith.constant 0 : i32
      %ge3A_49 = vector.broadcast %ge3A_48 : i32 to vector<16xi32>
      %ge3A_50 = arith.cmpi sge, %sub3A_47, %ge3A_49 : vector<16xi32>
      %lt3A_51 = arith.constant 5120 : i32
      %lt3A_52 = vector.broadcast %lt3A_51 : i32 to vector<16xi32>
      %lt3A_53 = arith.cmpi slt, %sub3A_47, %lt3A_52 : vector<16xi32>
      %and3A_54 = arith.andi %ge3A_50, %lt3A_53 : vector<16xi1>
      %iota3A_55 = tpu.iota {dimensions = array<i32: 0>} : vector<16xi32>
      %add3A_56 = arith.constant 5136 : i32
      %add3A_57 = vector.broadcast %add3A_56 : i32 to vector<16xi32>
      %add3A_58 = arith.addi %iota3A_55, %add3A_57 : vector<16xi32>
      %select_n3A_59 = arith.select %and3A_54, %sub3A_47, %add3A_58 : vector<16xi1>, vector<16xi32>
      %swap3A_60 = arith.constant 16 : index
      %swap3A_61 = tpu.vector_load %arg9[%swap3A_60] {strides = array<i32>} : memref<80xi32, #tpu.memory_space<vmem>>, vector<16xi32>,
      %swap3A_62 = vector.shape_cast %swap3A_61 : vector<16xi32> to vector<16xi32>
      %swap3A_63 = vector.shape_cast %select_n3A_59 : vector<16xi32> to vector<16xi32>
      tpu.vector_store %arg9[%swap3A_60], %swap3A_63 {strides = array<i32>} : memref<80xi32, #tpu.memory_space<vmem>>, vector<16xi32>,
      %get3A_64 = arith.constant 32 : index
      %get3A_65 = tpu.vector_load %arg12[%get3A_64] {strides = array<i32>} : memref<80xi32, #tpu.memory_space<vmem>>, vector<16xi32>,
      %get3A_66 = vector.shape_cast %get3A_65 : vector<16xi32> to vector<16xi32>
      %shift_right_logical3A_67 = arith.constant 2 : i32
      %shift_right_logical3A_68 = vector.broadcast %shift_right_logical3A_67 : i32 to vector<16xi32>
      %shift_right_logical3A_69 = arith.shrui %get3A_66, %shift_right_logical3A_68 : vector<16xi32>
      %sub3A_70 = vector.broadcast %mul3A_0 : i32 to vector<16xi32>
      %sub3A_71 = arith.subi %shift_right_logical3A_69, %sub3A_70 : vector<16xi32>
      %ge3A_72 = arith.constant 0 : i32
      %ge3A_73 = vector.broadcast %ge3A_72 : i32 to vector<16xi32>
      %ge3A_74 = arith.cmpi sge, %sub3A_71, %ge3A_73 : vector<16xi32>
      %lt3A_75 = arith.constant 5120 : i32
      %lt3A_76 = vector.broadcast %lt3A_75 : i32 to vector<16xi32>
      %lt3A_77 = arith.cmpi slt, %sub3A_71, %lt3A_76 : vector<16xi32>
      %and3A_78 = arith.andi %ge3A_74, %lt3A_77 : vector<16xi1>
      %iota3A_79 = tpu.iota {dimensions = array<i32: 0>} : vector<16xi32>
      %add3A_80 = arith.constant 5152 : i32
      %add3A_81 = vector.broadcast %add3A_80 : i32 to vector<16xi32>
      %add3A_82 = arith.addi %iota3A_79, %add3A_81 : vector<16xi32>
      %select_n3A_83 = arith.select %and3A_78, %sub3A_71, %add3A_82 : vector<16xi1>, vector<16xi32>
      %swap3A_84 = arith.constant 32 : index
      %swap3A_85 = tpu.vector_load %arg9[%swap3A_84] {strides = array<i32>} : memref<80xi32, #tpu.memory_space<vmem>>, vector<16xi32>,
      %swap3A_86 = vector.shape_cast %swap3A_85 : vector<16xi32> to vector<16xi32>
      %swap3A_87 = vector.shape_cast %select_n3A_83 : vector<16xi32> to vector<16xi32>
      tpu.vector_store %arg9[%swap3A_84], %swap3A_87 {strides = array<i32>} : memref<80xi32, #tpu.memory_space<vmem>>, vector<16xi32>,
      %get3A_88 = arith.constant 48 : index
      %get3A_89 = tpu.vector_load %arg12[%get3A_88] {strides = array<i32>} : memref<80xi32, #tpu.memory_space<vmem>>, vector<16xi32>,
      %get3A_90 = vector.shape_cast %get3A_89 : vector<16xi32> to vector<16xi32>
      %shift_right_logical3A_91 = arith.constant 2 : i32
      %shift_right_logical3A_92 = vector.broadcast %shift_right_logical3A_91 : i32 to vector<16xi32>
      %shift_right_logical3A_93 = arith.shrui %get3A_90, %shift_right_logical3A_92 : vector<16xi32>
      %sub3A_94 = vector.broadcast %mul3A_0 : i32 to vector<16xi32>
      %sub3A_95 = arith.subi %shift_right_logical3A_93, %sub3A_94 : vector<16xi32>
      %ge3A_96 = arith.constant 0 : i32
      %ge3A_97 = vector.broadcast %ge3A_96 : i32 to vector<16xi32>
      %ge3A_98 = arith.cmpi sge, %sub3A_95, %ge3A_97 : vector<16xi32>
      %lt3A_99 = arith.constant 5120 : i32
      %lt3A_100 = vector.broadcast %lt3A_99 : i32 to vector<16xi32>
      %lt3A_101 = arith.cmpi slt, %sub3A_95, %lt3A_100 : vector<16xi32>
      %and3A_102 = arith.andi %ge3A_98, %lt3A_101 : vector<16xi1>
      %iota3A_103 = tpu.iota {dimensions = array<i32: 0>} : vector<16xi32>
      %add3A_104 = arith.constant 5168 : i32
      %add3A_105 = vector.broadcast %add3A_104 : i32 to vector<16xi32>
      %add3A_106 = arith.addi %iota3A_103, %add3A_105 : vector<16xi32>
      %select_n3A_107 = arith.select %and3A_102, %sub3A_95, %add3A_106 : vector<16xi1>, vector<16xi32>
      %swap3A_108 = arith.constant 48 : index
      %swap3A_109 = tpu.vector_load %arg9[%swap3A_108] {strides = array<i32>} : memref<80xi32, #tpu.memory_space<vmem>>, vector<16xi32>,
      %swap3A_110 = vector.shape_cast %swap3A_109 : vector<16xi32> to vector<16xi32>
      %swap3A_111 = vector.shape_cast %select_n3A_107 : vector<16xi32> to vector<16xi32>
      tpu.vector_store %arg9[%swap3A_108], %swap3A_111 {strides = array<i32>} : memref<80xi32, #tpu.memory_space<vmem>>, vector<16xi32>,
      %get3A_112 = arith.constant 64 : index
      %get3A_113 = tpu.vector_load %arg12[%get3A_112] {strides = array<i32>} : memref<80xi32, #tpu.memory_space<vmem>>, vector<16xi32>,
      %get3A_114 = vector.shape_cast %get3A_113 : vector<16xi32> to vector<16xi32>
      %shift_right_logical3A_115 = arith.constant 2 : i32
      %shift_right_logical3A_116 = vector.broadcast %shift_right_logical3A_115 : i32 to vector<16xi32>
      %shift_right_logical3A_117 = arith.shrui %get3A_114, %shift_right_logical3A_116 : vector<16xi32>
      %sub3A_118 = vector.broadcast %mul3A_0 : i32 to vector<16xi32>
      %sub3A_119 = arith.subi %shift_right_logical3A_117, %sub3A_118 : vector<16xi32>
      %ge3A_120 = arith.constant 0 : i32
      %ge3A_121 = vector.broadcast %ge3A_120 : i32 to vector<16xi32>
      %ge3A_122 = arith.cmpi sge, %sub3A_119, %ge3A_121 : vector<16xi32>
      %lt3A_123 = arith.constant 5120 : i32
      %lt3A_124 = vector.broadcast %lt3A_123 : i32 to vector<16xi32>
      %lt3A_125 = arith.cmpi slt, %sub3A_119, %lt3A_124 : vector<16xi32>
      %and3A_126 = arith.andi %ge3A_122, %lt3A_125 : vector<16xi1>
      %iota3A_127 = tpu.iota {dimensions = array<i32: 0>} : vector<16xi32>
      %add3A_128 = arith.constant 5184 : i32
      %add3A_129 = vector.broadcast %add3A_128 : i32 to vector<16xi32>
      %add3A_130 = arith.addi %iota3A_127, %add3A_129 : vector<16xi32>
      %select_n3A_131 = arith.select %and3A_126, %sub3A_119, %add3A_130 : vector<16xi1>, vector<16xi32>
      %swap3A_132 = arith.constant 64 : index
      %swap3A_133 = tpu.vector_load %arg9[%swap3A_132] {strides = array<i32>} : memref<80xi32, #tpu.memory_space<vmem>>, vector<16xi32>,
      %swap3A_134 = vector.shape_cast %swap3A_133 : vector<16xi32> to vector<16xi32>
      %swap3A_135 = vector.shape_cast %select_n3A_131 : vector<16xi32> to vector<16xi32>
      tpu.vector_store %arg9[%swap3A_132], %swap3A_135 {strides = array<i32>} : memref<80xi32, #tpu.memory_space<vmem>>, vector<16xi32>,
      %scan3A_136 = arith.constant 0 : i32
      %scan3A_137 = arith.constant 0 : i32
      %scan3A_138 = arith.constant 80 : i32
      %scan3A_139 = arith.addi %scan3A_137, %scan3A_138 : i32
      %scan3A_140 = arith.constant 1 : i32
      scf.for %scan3A_142 = %scan3A_137 to %scan3A_139 step %scan3A_140  : i32 {
        %get3A_143 = arith.index_cast %scan3A_142 : i32 to index
        %get3A_144 = arith.constant 0 : index
        %get3A_145 = tpu.vector_load %arg13[%get3A_143, %get3A_144] {strides = array<i32>} : memref<80x128xf32, #tpu.memory_space<vmem>>, vector<1x16xf32>,
        %get3A_146 = vector.shape_cast %get3A_145 : vector<1x16xf32> to vector<16xf32>
        %get3A_147 = arith.index_cast %scan3A_142 : i32 to index
        %get3A_148 = arith.constant 0 : index
        %get3A_149 = tpu.vector_load %arg14[%get3A_147, %get3A_148] {strides = array<i32>} : memref<80x128xf32, #tpu.memory_space<vmem>>, vector<1x16xf32>,
        %get3A_150 = vector.shape_cast %get3A_149 : vector<1x16xf32> to vector<16xf32>
        %add3A_151 = arith.addf %get3A_146, %get3A_150 : vector<16xf32>
        %max3A = arith.constant 0.000000e+00 : f32
        %max3A_152 = vector.broadcast %max3A : f32 to vector<16xf32>
        %max3A_153 = arith.maximumf %add3A_151, %max3A_152 : vector<16xf32>
        %swap3A_154 = arith.index_cast %scan3A_142 : i32 to index
        %swap3A_155 = arith.constant 0 : index
        %swap3A_156 = tpu.vector_load %arg13[%swap3A_154, %swap3A_155] {strides = array<i32>} : memref<80x128xf32, #tpu.memory_space<vmem>>, vector<1x16xf32>,
        %swap3A_157 = vector.shape_cast %swap3A_156 : vector<1x16xf32> to vector<16xf32>
        %swap3A_158 = vector.shape_cast %max3A_153 : vector<16xf32> to vector<1x16xf32>
        tpu.vector_store %arg13[%swap3A_154, %swap3A_155], %swap3A_158 {strides = array<i32>} : memref<80x128xf32, #tpu.memory_space<vmem>>, vector<1x16xf32>,
        %get3A_159 = arith.index_cast %scan3A_142 : i32 to index
        %get3A_160 = arith.constant 16 : index
        %get3A_161 = tpu.vector_load %arg13[%get3A_159, %get3A_160] {strides = array<i32>} : memref<80x128xf32, #tpu.memory_space<vmem>>, vector<1x16xf32>,
        %get3A_162 = vector.shape_cast %get3A_161 : vector<1x16xf32> to vector<16xf32>
        %get3A_163 = arith.index_cast %scan3A_142 : i32 to index
        %get3A_164 = arith.constant 16 : index
        %get3A_165 = tpu.vector_load %arg14[%get3A_163, %get3A_164] {strides = array<i32>} : memref<80x128xf32, #tpu.memory_space<vmem>>, vector<1x16xf32>,
        %get3A_166 = vector.shape_cast %get3A_165 : vector<1x16xf32> to vector<16xf32>
        %add3A_167 = arith.addf %get3A_162, %get3A_166 : vector<16xf32>
        %max3A_168 = arith.constant 0.000000e+00 : f32
        %max3A_169 = vector.broadcast %max3A_168 : f32 to vector<16xf32>
        %max3A_170 = arith.maximumf %add3A_167, %max3A_169 : vector<16xf32>
        %swap3A_171 = arith.index_cast %scan3A_142 : i32 to index
        %swap3A_172 = arith.constant 16 : index
        %swap3A_173 = tpu.vector_load %arg13[%swap3A_171, %swap3A_172] {strides = array<i32>} : memref<80x128xf32, #tpu.memory_space<vmem>>, vector<1x16xf32>,
        %swap3A_174 = vector.shape_cast %swap3A_173 : vector<1x16xf32> to vector<16xf32>
        %swap3A_175 = vector.shape_cast %max3A_170 : vector<16xf32> to vector<1x16xf32>
        tpu.vector_store %arg13[%swap3A_171, %swap3A_172], %swap3A_175 {strides = array<i32>} : memref<80x128xf32, #tpu.memory_space<vmem>>, vector<1x16xf32>,
        %get3A_176 = arith.index_cast %scan3A_142 : i32 to index
        %get3A_177 = arith.constant 32 : index
        %get3A_178 = tpu.vector_load %arg13[%get3A_176, %get3A_177] {strides = array<i32>} : memref<80x128xf32, #tpu.memory_space<vmem>>, vector<1x16xf32>,
        %get3A_179 = vector.shape_cast %get3A_178 : vector<1x16xf32> to vector<16xf32>
        %get3A_180 = arith.index_cast %scan3A_142 : i32 to index
        %get3A_181 = arith.constant 32 : index
        %get3A_182 = tpu.vector_load %arg14[%get3A_180, %get3A_181] {strides = array<i32>} : memref<80x128xf32, #tpu.memory_space<vmem>>, vector<1x16xf32>,
        %get3A_183 = vector.shape_cast %get3A_182 : vector<1x16xf32> to vector<16xf32>
        %add3A_184 = arith.addf %get3A_179, %get3A_183 : vector<16xf32>
        %max3A_185 = arith.constant 0.000000e+00 : f32
        %max3A_186 = vector.broadcast %max3A_185 : f32 to vector<16xf32>
        %max3A_187 = arith.maximumf %add3A_184, %max3A_186 : vector<16xf32>
        %swap3A_188 = arith.index_cast %scan3A_142 : i32 to index
        %swap3A_189 = arith.constant 32 : index
        %swap3A_190 = tpu.vector_load %arg13[%swap3A_188, %swap3A_189] {strides = array<i32>} : memref<80x128xf32, #tpu.memory_space<vmem>>, vector<1x16xf32>,
        %swap3A_191 = vector.shape_cast %swap3A_190 : vector<1x16xf32> to vector<16xf32>
        %swap3A_192 = vector.shape_cast %max3A_187 : vector<16xf32> to vector<1x16xf32>
        tpu.vector_store %arg13[%swap3A_188, %swap3A_189], %swap3A_192 {strides = array<i32>} : memref<80x128xf32, #tpu.memory_space<vmem>>, vector<1x16xf32>,
        %get3A_193 = arith.index_cast %scan3A_142 : i32 to index
        %get3A_194 = arith.constant 48 : index
        %get3A_195 = tpu.vector_load %arg13[%get3A_193, %get3A_194] {strides = array<i32>} : memref<80x128xf32, #tpu.memory_space<vmem>>, vector<1x16xf32>,
        %get3A_196 = vector.shape_cast %get3A_195 : vector<1x16xf32> to vector<16xf32>
        %get3A_197 = arith.index_cast %scan3A_142 : i32 to index
        %get3A_198 = arith.constant 48 : index
        %get3A_199 = tpu.vector_load %arg14[%get3A_197, %get3A_198] {strides = array<i32>} : memref<80x128xf32, #tpu.memory_space<vmem>>, vector<1x16xf32>,
        %get3A_200 = vector.shape_cast %get3A_199 : vector<1x16xf32> to vector<16xf32>
        %add3A_201 = arith.addf %get3A_196, %get3A_200 : vector<16xf32>
        %max3A_202 = arith.constant 0.000000e+00 : f32
        %max3A_203 = vector.broadcast %max3A_202 : f32 to vector<16xf32>
        %max3A_204 = arith.maximumf %add3A_201, %max3A_203 : vector<16xf32>
        %swap3A_205 = arith.index_cast %scan3A_142 : i32 to index
        %swap3A_206 = arith.constant 48 : index
        %swap3A_207 = tpu.vector_load %arg13[%swap3A_205, %swap3A_206] {strides = array<i32>} : memref<80x128xf32, #tpu.memory_space<vmem>>, vector<1x16xf32>,
        %swap3A_208 = vector.shape_cast %swap3A_207 : vector<1x16xf32> to vector<16xf32>
        %swap3A_209 = vector.shape_cast %max3A_204 : vector<16xf32> to vector<1x16xf32>
        tpu.vector_store %arg13[%swap3A_205, %swap3A_206], %swap3A_209 {strides = array<i32>} : memref<80x128xf32, #tpu.memory_space<vmem>>, vector<1x16xf32>,
        %get3A_210 = arith.index_cast %scan3A_142 : i32 to index
        %get3A_211 = arith.constant 64 : index
        %get3A_212 = tpu.vector_load %arg13[%get3A_210, %get3A_211] {strides = array<i32>} : memref<80x128xf32, #tpu.memory_space<vmem>>, vector<1x16xf32>,
        %get3A_213 = vector.shape_cast %get3A_212 : vector<1x16xf32> to vector<16xf32>
        %get3A_214 = arith.index_cast %scan3A_142 : i32 to index
        %get3A_215 = arith.constant 64 : index
        %get3A_216 = tpu.vector_load %arg14[%get3A_214, %get3A_215] {strides = array<i32>} : memref<80x128xf32, #tpu.memory_space<vmem>>, vector<1x16xf32>,
        %get3A_217 = vector.shape_cast %get3A_216 : vector<1x16xf32> to vector<16xf32>
        %add3A_218 = arith.addf %get3A_213, %get3A_217 : vector<16xf32>
        %max3A_219 = arith.constant 0.000000e+00 : f32
        %max3A_220 = vector.broadcast %max3A_219 : f32 to vector<16xf32>
        %max3A_221 = arith.maximumf %add3A_218, %max3A_220 : vector<16xf32>
        %swap3A_222 = arith.index_cast %scan3A_142 : i32 to index
        %swap3A_223 = arith.constant 64 : index
        %swap3A_224 = tpu.vector_load %arg13[%swap3A_222, %swap3A_223] {strides = array<i32>} : memref<80x128xf32, #tpu.memory_space<vmem>>, vector<1x16xf32>,
        %swap3A_225 = vector.shape_cast %swap3A_224 : vector<1x16xf32> to vector<16xf32>
        %swap3A_226 = vector.shape_cast %max3A_221 : vector<16xf32> to vector<1x16xf32>
        tpu.vector_store %arg13[%swap3A_222, %swap3A_223], %swap3A_226 {strides = array<i32>} : memref<80x128xf32, #tpu.memory_space<vmem>>, vector<1x16xf32>,
        %get3A_227 = arith.index_cast %scan3A_142 : i32 to index
        %get3A_228 = arith.constant 80 : index
        %get3A_229 = tpu.vector_load %arg13[%get3A_227, %get3A_228] {strides = array<i32>} : memref<80x128xf32, #tpu.memory_space<vmem>>, vector<1x16xf32>,
        %get3A_230 = vector.shape_cast %get3A_229 : vector<1x16xf32> to vector<16xf32>
        %get3A_231 = arith.index_cast %scan3A_142 : i32 to index
        %get3A_232 = arith.constant 80 : index
        %get3A_233 = tpu.vector_load %arg14[%get3A_231, %get3A_232] {strides = array<i32>} : memref<80x128xf32, #tpu.memory_space<vmem>>, vector<1x16xf32>,
        %get3A_234 = vector.shape_cast %get3A_233 : vector<1x16xf32> to vector<16xf32>
        %add3A_235 = arith.addf %get3A_230, %get3A_234 : vector<16xf32>
        %max3A_236 = arith.constant 0.000000e+00 : f32
        %max3A_237 = vector.broadcast %max3A_236 : f32 to vector<16xf32>
        %max3A_238 = arith.maximumf %add3A_235, %max3A_237 : vector<16xf32>
        %swap3A_239 = arith.index_cast %scan3A_142 : i32 to index
        %swap3A_240 = arith.constant 80 : index
        %swap3A_241 = tpu.vector_load %arg13[%swap3A_239, %swap3A_240] {strides = array<i32>} : memref<80x128xf32, #tpu.memory_space<vmem>>, vector<1x16xf32>,
        %swap3A_242 = vector.shape_cast %swap3A_241 : vector<1x16xf32> to vector<16xf32>
        %swap3A_243 = vector.shape_cast %max3A_238 : vector<16xf32> to vector<1x16xf32>
        tpu.vector_store %arg13[%swap3A_239, %swap3A_240], %swap3A_243 {strides = array<i32>} : memref<80x128xf32, #tpu.memory_space<vmem>>, vector<1x16xf32>,
        %get3A_244 = arith.index_cast %scan3A_142 : i32 to index
        %get3A_245 = arith.constant 96 : index
        %get3A_246 = tpu.vector_load %arg13[%get3A_244, %get3A_245] {strides = array<i32>} : memref<80x128xf32, #tpu.memory_space<vmem>>, vector<1x16xf32>,
        %get3A_247 = vector.shape_cast %get3A_246 : vector<1x16xf32> to vector<16xf32>
        %get3A_248 = arith.index_cast %scan3A_142 : i32 to index
        %get3A_249 = arith.constant 96 : index
        %get3A_250 = tpu.vector_load %arg14[%get3A_248, %get3A_249] {strides = array<i32>} : memref<80x128xf32, #tpu.memory_space<vmem>>, vector<1x16xf32>,
        %get3A_251 = vector.shape_cast %get3A_250 : vector<1x16xf32> to vector<16xf32>
        %add3A_252 = arith.addf %get3A_247, %get3A_251 : vector<16xf32>
        %max3A_253 = arith.constant 0.000000e+00 : f32
        %max3A_254 = vector.broadcast %max3A_253 : f32 to vector<16xf32>
        %max3A_255 = arith.maximumf %add3A_252, %max3A_254 : vector<16xf32>
        %swap3A_256 = arith.index_cast %scan3A_142 : i32 to index
        %swap3A_257 = arith.constant 96 : index
        %swap3A_258 = tpu.vector_load %arg13[%swap3A_256, %swap3A_257] {strides = array<i32>} : memref<80x128xf32, #tpu.memory_space<vmem>>, vector<1x16xf32>,
        %swap3A_259 = vector.shape_cast %swap3A_258 : vector<1x16xf32> to vector<16xf32>
        %swap3A_260 = vector.shape_cast %max3A_255 : vector<16xf32> to vector<1x16xf32>
        tpu.vector_store %arg13[%swap3A_256, %swap3A_257], %swap3A_260 {strides = array<i32>} : memref<80x128xf32, #tpu.memory_space<vmem>>, vector<1x16xf32>,
        %get3A_261 = arith.index_cast %scan3A_142 : i32 to index
        %get3A_262 = arith.constant 112 : index
        %get3A_263 = tpu.vector_load %arg13[%get3A_261, %get3A_262] {strides = array<i32>} : memref<80x128xf32, #tpu.memory_space<vmem>>, vector<1x16xf32>,
        %get3A_264 = vector.shape_cast %get3A_263 : vector<1x16xf32> to vector<16xf32>
        %get3A_265 = arith.index_cast %scan3A_142 : i32 to index
        %get3A_266 = arith.constant 112 : index
        %get3A_267 = tpu.vector_load %arg14[%get3A_265, %get3A_266] {strides = array<i32>} : memref<80x128xf32, #tpu.memory_space<vmem>>, vector<1x16xf32>,
        %get3A_268 = vector.shape_cast %get3A_267 : vector<1x16xf32> to vector<16xf32>
        %add3A_269 = arith.addf %get3A_264, %get3A_268 : vector<16xf32>
        %max3A_270 = arith.constant 0.000000e+00 : f32
        %max3A_271 = vector.broadcast %max3A_270 : f32 to vector<16xf32>
        %max3A_272 = arith.maximumf %add3A_269, %max3A_271 : vector<16xf32>
        %swap3A_273 = arith.index_cast %scan3A_142 : i32 to index
        %swap3A_274 = arith.constant 112 : index
        %swap3A_275 = tpu.vector_load %arg13[%swap3A_273, %swap3A_274] {strides = array<i32>} : memref<80x128xf32, #tpu.memory_space<vmem>>, vector<1x16xf32>,
        %swap3A_276 = vector.shape_cast %swap3A_275 : vector<1x16xf32> to vector<16xf32>
        %swap3A_277 = vector.shape_cast %max3A_272 : vector<16xf32> to vector<1x16xf32>
        tpu.vector_store %arg13[%swap3A_273, %swap3A_274], %swap3A_277 {strides = array<i32>} : memref<80x128xf32, #tpu.memory_space<vmem>>, vector<1x16xf32>,
      }
      %scan3A_141 = arith.constant 80 : i32
      "tpu.region"() ({
        %run_scoped3A = tpu.sem_alloc : memref<!tpu.dma_semaphore, #tpu.memory_space<semaphore_mem>>
        %dma_start3A = arith.constant 0 : i32
        %dma_start3A_142 = arith.constant 0 : i32
        %dma_start3A_143 = tpu.memref_slice %arg16[%dma_start3A, %dma_start3A_142] : memref<5248x128xf32, #tpu.memory_space<vmem_shared>> -> memref<5248x128xf32, #tpu.memory_space<vmem_shared>>
        tpu.enqueue_indirect_dma source(%arg13 : memref<80x128xf32, #tpu.memory_space<vmem>>) target(%dma_start3A_143 : memref<5248x128xf32, #tpu.memory_space<vmem_shared>>) offsets(%arg9 : memref<80xi32, #tpu.memory_space<vmem>>) semaphore(%run_scoped3A : memref<!tpu.dma_semaphore, #tpu.memory_space<semaphore_mem>>) {add = true}
        %dma_wait3A = arith.constant 0 : i32
        %dma_wait3A_144 = arith.constant 0 : i32
        %dma_wait3A_145 = tpu.memref_slice %arg16[%dma_wait3A, %dma_wait3A_144] : memref<5248x128xf32, #tpu.memory_space<vmem_shared>> -> memref<5248x128xf32, #tpu.memory_space<vmem_shared>>
        tpu.wait_indirect_dma semaphore(%run_scoped3A : memref<!tpu.dma_semaphore, #tpu.memory_space<semaphore_mem>>) src(%arg13 : memref<80x128xf32, #tpu.memory_space<vmem>>) dst(%dma_wait3A_145 : memref<5248x128xf32, #tpu.memory_space<vmem_shared>>)
        tpu.yield
      }) : () -> ()
    }
    %scan3A_13 = arith.constant 250 : i32
    %barrier3A_14 = arith.constant 0 : index
    tpu.barrier barrier_id(%barrier3A_14)
    %mul3A_15 = arith.constant 320 : i32
    %mul3A_16 = arith.muli %arg1, %mul3A_15 : i32
    %mul3A_17 = arith.constant 320 : i32
    %mul3A_18 = arith.muli %arg1, %mul3A_17 : i32
    %add3A = arith.addi %mul3A_0, %mul3A_18 : i32
    "tpu.region"() ({
      %run_scoped3A = tpu.sem_alloc : memref<!tpu.dma_semaphore, #tpu.memory_space<semaphore_mem>>
      %dma_start3A = arith.constant 0 : i32
      %dma_start3A_19 = tpu.memref_slice %arg6[%add3A, %dma_start3A] : memref<10240x128xf32, #tpu.memory_space<hbm>> -> memref<320x128xf32, #tpu.memory_space<hbm>>
      %dma_start3A_20 = arith.constant 0 : i32
      %dma_start3A_21 = tpu.memref_slice %arg16[%mul3A_16, %dma_start3A_20] : memref<5248x128xf32, #tpu.memory_space<vmem_shared>> -> memref<320x128xf32, #tpu.memory_space<vmem_shared>>
      tpu.enqueue_dma source(%dma_start3A_21 : memref<320x128xf32, #tpu.memory_space<vmem_shared>>) target(%dma_start3A_19 : memref<320x128xf32, #tpu.memory_space<hbm>>) target_semaphore(%run_scoped3A : memref<!tpu.dma_semaphore, #tpu.memory_space<semaphore_mem>>)
      %dma_wait3A = arith.constant 0 : i32
      %dma_wait3A_22 = tpu.memref_slice %arg6[%add3A, %dma_wait3A] : memref<10240x128xf32, #tpu.memory_space<hbm>> -> memref<320x128xf32, #tpu.memory_space<hbm>>
      %dma_wait3A_23 = arith.constant 0 : i32
      %dma_wait3A_24 = tpu.memref_slice %arg16[%mul3A_16, %dma_wait3A_23] : memref<5248x128xf32, #tpu.memory_space<vmem_shared>> -> memref<320x128xf32, #tpu.memory_space<vmem_shared>>
      tpu.wait_dma2 semaphore(%run_scoped3A : memref<!tpu.dma_semaphore, #tpu.memory_space<semaphore_mem>>) src(%dma_wait3A_24 : memref<320x128xf32, #tpu.memory_space<vmem_shared>>) dst(%dma_wait3A_22 : memref<320x128xf32, #tpu.memory_space<hbm>>)
      tpu.yield
    }) : () -> ()
    return
  }
}

#map = affine_map<(d0, d1) -> (0, 0)>
#map1 = affine_map<(d0, d1) -> (0)>
module attributes {stable_mosaic.version = 14 : i64} {
  func.func @new_body(%arg0: i32, %arg1: i32, %arg2: memref<10000x128xf32, #tpu.memory_space<hbm>>, %arg3: memref<320000x128xf32, #tpu.memory_space<hbm>>, %arg4: memref<320000xi32, #tpu.memory_space<hbm>>, %arg5: memref<320000xi32, #tpu.memory_space<hbm>>, %arg6: memref<10240x128xf32, #tpu.memory_space<hbm>>, %arg7: memref<10240x128xf32, #tpu.memory_space<hbm>>, %arg8: memref<80xi32, #tpu.memory_space<vmem>>, %arg9: memref<80xi32, #tpu.memory_space<vmem>>, %arg10: memref<80xi32, #tpu.memory_space<vmem>>, %arg11: memref<80xi32, #tpu.memory_space<vmem>>, %arg12: memref<80xi32, #tpu.memory_space<vmem>>, %arg13: memref<80x128xf32, #tpu.memory_space<vmem>>, %arg14: memref<80x128xf32, #tpu.memory_space<vmem>>, %arg15: memref<328x128xf32, #tpu.memory_space<vmem>>, %arg16: memref<5248x128xf32, #tpu.memory_space<vmem_shared>>) attributes {dimension_semantics = [#tpu.dimension_semantics<core_parallel>, #tpu.dimension_semantics<subcore_parallel>], iteration_bounds = array<i64: 2, 16>, scalar_prefetch = 0 : i64, scratch_operands = 9 : i64, tpu.core_type = #tpu.core_type<sc_vector_subcore>, window_params = [{transform_indices = #map}, {transform_indices = #map}, {transform_indices = #map1}, {transform_indices = #map1}, {transform_indices = #map}, {transform_indices = #map}]} {
    %mul3A = arith.constant 5120 : i32
    %mul3A_0 = arith.muli %arg0, %mul3A : i32
    %scan3A = arith.constant 0 : i32
    %scan3A_1 = arith.constant 0 : i32
    %scan3A_2 = arith.constant 328 : i32
    %scan3A_3 = arith.addi %scan3A_1, %scan3A_2 : i32
    %scan3A_4 = arith.constant 1 : i32
    scf.for %scan3A_19 = %scan3A_1 to %scan3A_3 step %scan3A_4  : i32 {
      %broadcast_in_dim3A = arith.constant 0.000000e+00 : f32
      %broadcast_in_dim3A_20 = vector.broadcast %broadcast_in_dim3A : f32 to vector<16xf32>
      %swap3A = arith.index_cast %scan3A_19 : i32 to index
      %swap3A_21 = arith.constant 0 : index
      %swap3A_22 = tpu.vector_load %arg15[%swap3A, %swap3A_21] {strides = array<i32>} : memref<328x128xf32, #tpu.memory_space<vmem>>, vector<1x16xf32>,
      %swap3A_23 = vector.shape_cast %swap3A_22 : vector<1x16xf32> to vector<16xf32>
      %swap3A_24 = vector.shape_cast %broadcast_in_dim3A_20 : vector<16xf32> to vector<1x16xf32>
      tpu.vector_store %arg15[%swap3A, %swap3A_21], %swap3A_24 {strides = array<i32>} : memref<328x128xf32, #tpu.memory_space<vmem>>, vector<1x16xf32>,
      %broadcast_in_dim3A_25 = arith.constant 0.000000e+00 : f32
      %broadcast_in_dim3A_26 = vector.broadcast %broadcast_in_dim3A_25 : f32 to vector<16xf32>
      %swap3A_27 = arith.index_cast %scan3A_19 : i32 to index
      %swap3A_28 = arith.constant 16 : index
      %swap3A_29 = tpu.vector_load %arg15[%swap3A_27, %swap3A_28] {strides = array<i32>} : memref<328x128xf32, #tpu.memory_space<vmem>>, vector<1x16xf32>,
      %swap3A_30 = vector.shape_cast %swap3A_29 : vector<1x16xf32> to vector<16xf32>
      %swap3A_31 = vector.shape_cast %broadcast_in_dim3A_26 : vector<16xf32> to vector<1x16xf32>
      tpu.vector_store %arg15[%swap3A_27, %swap3A_28], %swap3A_31 {strides = array<i32>} : memref<328x128xf32, #tpu.memory_space<vmem>>, vector<1x16xf32>,
      %broadcast_in_dim3A_32 = arith.constant 0.000000e+00 : f32
      %broadcast_in_dim3A_33 = vector.broadcast %broadcast_in_dim3A_32 : f32 to vector<16xf32>
      %swap3A_34 = arith.index_cast %scan3A_19 : i32 to index
      %swap3A_35 = arith.constant 32 : index
      %swap3A_36 = tpu.vector_load %arg15[%swap3A_34, %swap3A_35] {strides = array<i32>} : memref<328x128xf32, #tpu.memory_space<vmem>>, vector<1x16xf32>,
      %swap3A_37 = vector.shape_cast %swap3A_36 : vector<1x16xf32> to vector<16xf32>
      %swap3A_38 = vector.shape_cast %broadcast_in_dim3A_33 : vector<16xf32> to vector<1x16xf32>
      tpu.vector_store %arg15[%swap3A_34, %swap3A_35], %swap3A_38 {strides = array<i32>} : memref<328x128xf32, #tpu.memory_space<vmem>>, vector<1x16xf32>,
      %broadcast_in_dim3A_39 = arith.constant 0.000000e+00 : f32
      %broadcast_in_dim3A_40 = vector.broadcast %broadcast_in_dim3A_39 : f32 to vector<16xf32>
      %swap3A_41 = arith.index_cast %scan3A_19 : i32 to index
      %swap3A_42 = arith.constant 48 : index
      %swap3A_43 = tpu.vector_load %arg15[%swap3A_41, %swap3A_42] {strides = array<i32>} : memref<328x128xf32, #tpu.memory_space<vmem>>, vector<1x16xf32>,
      %swap3A_44 = vector.shape_cast %swap3A_43 : vector<1x16xf32> to vector<16xf32>
      %swap3A_45 = vector.shape_cast %broadcast_in_dim3A_40 : vector<16xf32> to vector<1x16xf32>
      tpu.vector_store %arg15[%swap3A_41, %swap3A_42], %swap3A_45 {strides = array<i32>} : memref<328x128xf32, #tpu.memory_space<vmem>>, vector<1x16xf32>,
      %broadcast_in_dim3A_46 = arith.constant 0.000000e+00 : f32
      %broadcast_in_dim3A_47 = vector.broadcast %broadcast_in_dim3A_46 : f32 to vector<16xf32>
      %swap3A_48 = arith.index_cast %scan3A_19 : i32 to index
      %swap3A_49 = arith.constant 64 : index
      %swap3A_50 = tpu.vector_load %arg15[%swap3A_48, %swap3A_49] {strides = array<i32>} : memref<328x128xf32, #tpu.memory_space<vmem>>, vector<1x16xf32>,
      %swap3A_51 = vector.shape_cast %swap3A_50 : vector<1x16xf32> to vector<16xf32>
      %swap3A_52 = vector.shape_cast %broadcast_in_dim3A_47 : vector<16xf32> to vector<1x16xf32>
      tpu.vector_store %arg15[%swap3A_48, %swap3A_49], %swap3A_52 {strides = array<i32>} : memref<328x128xf32, #tpu.memory_space<vmem>>, vector<1x16xf32>,
      %broadcast_in_dim3A_53 = arith.constant 0.000000e+00 : f32
      %broadcast_in_dim3A_54 = vector.broadcast %broadcast_in_dim3A_53 : f32 to vector<16xf32>
      %swap3A_55 = arith.index_cast %scan3A_19 : i32 to index
      %swap3A_56 = arith.constant 80 : index
      %swap3A_57 = tpu.vector_load %arg15[%swap3A_55, %swap3A_56] {strides = array<i32>} : memref<328x128xf32, #tpu.memory_space<vmem>>, vector<1x16xf32>,
      %swap3A_58 = vector.shape_cast %swap3A_57 : vector<1x16xf32> to vector<16xf32>
      %swap3A_59 = vector.shape_cast %broadcast_in_dim3A_54 : vector<16xf32> to vector<1x16xf32>
      tpu.vector_store %arg15[%swap3A_55, %swap3A_56], %swap3A_59 {strides = array<i32>} : memref<328x128xf32, #tpu.memory_space<vmem>>, vector<1x16xf32>,
      %broadcast_in_dim3A_60 = arith.constant 0.000000e+00 : f32
      %broadcast_in_dim3A_61 = vector.broadcast %broadcast_in_dim3A_60 : f32 to vector<16xf32>
      %swap3A_62 = arith.index_cast %scan3A_19 : i32 to index
      %swap3A_63 = arith.constant 96 : index
      %swap3A_64 = tpu.vector_load %arg15[%swap3A_62, %swap3A_63] {strides = array<i32>} : memref<328x128xf32, #tpu.memory_space<vmem>>, vector<1x16xf32>,
      %swap3A_65 = vector.shape_cast %swap3A_64 : vector<1x16xf32> to vector<16xf32>
      %swap3A_66 = vector.shape_cast %broadcast_in_dim3A_61 : vector<16xf32> to vector<1x16xf32>
      tpu.vector_store %arg15[%swap3A_62, %swap3A_63], %swap3A_66 {strides = array<i32>} : memref<328x128xf32, #tpu.memory_space<vmem>>, vector<1x16xf32>,
      %broadcast_in_dim3A_67 = arith.constant 0.000000e+00 : f32
      %broadcast_in_dim3A_68 = vector.broadcast %broadcast_in_dim3A_67 : f32 to vector<16xf32>
      %swap3A_69 = arith.index_cast %scan3A_19 : i32 to index
      %swap3A_70 = arith.constant 112 : index
      %swap3A_71 = tpu.vector_load %arg15[%swap3A_69, %swap3A_70] {strides = array<i32>} : memref<328x128xf32, #tpu.memory_space<vmem>>, vector<1x16xf32>,
      %swap3A_72 = vector.shape_cast %swap3A_71 : vector<1x16xf32> to vector<16xf32>
      %swap3A_73 = vector.shape_cast %broadcast_in_dim3A_68 : vector<16xf32> to vector<1x16xf32>
      tpu.vector_store %arg15[%swap3A_69, %swap3A_70], %swap3A_73 {strides = array<i32>} : memref<328x128xf32, #tpu.memory_space<vmem>>, vector<1x16xf32>,
    }
    %scan3A_5 = arith.constant 328 : i32
    %mul3A_6 = arith.constant 328 : i32
    %mul3A_7 = arith.muli %arg1, %mul3A_6 : i32
    "tpu.region"() ({
      %run_scoped3A = tpu.sem_alloc : memref<!tpu.dma_semaphore, #tpu.memory_space<semaphore_mem>>
      %dma_start3A = arith.constant 0 : i32
      %dma_start3A_19 = tpu.memref_slice %arg16[%mul3A_7, %dma_start3A] : memref<5248x128xf32, #tpu.memory_space<vmem_shared>> -> memref<328x128xf32, #tpu.memory_space<vmem_shared>>
      %dma_start3A_20 = arith.constant 0 : i32
      %dma_start3A_21 = tpu.memref_slice %arg16[%mul3A_7, %dma_start3A_20] : memref<5248x128xf32, #tpu.memory_space<vmem_shared>> -> memref<328x128xf32, #tpu.memory_space<vmem_shared>>
      tpu.enqueue_dma source(%arg15 : memref<328x128xf32, #tpu.memory_space<vmem>>) target(%dma_start3A_21 : memref<328x128xf32, #tpu.memory_space<vmem_shared>>) target_semaphore(%run_scoped3A : memref<!tpu.dma_semaphore, #tpu.memory_space<semaphore_mem>>)
      %dma_wait3A = arith.constant 0 : i32
      %dma_wait3A_22 = tpu.memref_slice %arg16[%mul3A_7, %dma_wait3A] : memref<5248x128xf32, #tpu.memory_space<vmem_shared>> -> memref<328x128xf32, #tpu.memory_space<vmem_shared>>
      %dma_wait3A_23 = arith.constant 0 : i32
      %dma_wait3A_24 = tpu.memref_slice %arg16[%mul3A_7, %dma_wait3A_23] : memref<5248x128xf32, #tpu.memory_space<vmem_shared>> -> memref<328x128xf32, #tpu.memory_space<vmem_shared>>
      tpu.wait_dma2 semaphore(%run_scoped3A : memref<!tpu.dma_semaphore, #tpu.memory_space<semaphore_mem>>) src(%arg15 : memref<328x128xf32, #tpu.memory_space<vmem>>) dst(%dma_wait3A_24 : memref<328x128xf32, #tpu.memory_space<vmem_shared>>)
      tpu.yield
    }) : () -> ()
    %barrier3A = arith.constant 0 : index
    tpu.barrier barrier_id(%barrier3A)
    %scan3A_8 = arith.constant 0 : i32
    %scan3A_9 = arith.constant 0 : i32
    %scan3A_10 = arith.constant 250 : i32
    %scan3A_11 = arith.addi %scan3A_9, %scan3A_10 : i32
    %scan3A_12 = arith.constant 1 : i32
    scf.for %scan3A_19 = %scan3A_9 to %scan3A_11 step %scan3A_12  : i32 {
      %mul3A_20 = arith.constant 20000 : i32
      %mul3A_21 = arith.muli %arg1, %mul3A_20 : i32
      %mul3A_22 = arith.constant 80 : i32
      %mul3A_23 = arith.muli %scan3A_19, %mul3A_22 : i32
      %add3A_24 = arith.addi %mul3A_21, %mul3A_23 : i32
      "tpu.region"() ({
        %run_scoped3A = tpu.sem_alloc : memref<!tpu.dma_semaphore, #tpu.memory_space<semaphore_mem>>
        %dma_start3A = tpu.memref_slice %arg4[%add3A_24] : memref<320000xi32, #tpu.memory_space<hbm>> -> memref<80xi32, #tpu.memory_space<hbm>>
        %dma_start3A_142 = tpu.memref_slice %arg4[%add3A_24] : memref<320000xi32, #tpu.memory_space<hbm>> -> memref<80xi32, #tpu.memory_space<hbm>>
        tpu.enqueue_dma source(%dma_start3A_142 : memref<80xi32, #tpu.memory_space<hbm>>) target(%arg8 : memref<80xi32, #tpu.memory_space<vmem>>) target_semaphore(%run_scoped3A : memref<!tpu.dma_semaphore, #tpu.memory_space<semaphore_mem>>)
        %dma_wait3A = tpu.memref_slice %arg4[%add3A_24] : memref<320000xi32, #tpu.memory_space<hbm>> -> memref<80xi32, #tpu.memory_space<hbm>>
        %dma_wait3A_143 = tpu.memref_slice %arg4[%add3A_24] : memref<320000xi32, #tpu.memory_space<hbm>> -> memref<80xi32, #tpu.memory_space<hbm>>
        tpu.wait_dma2 semaphore(%run_scoped3A : memref<!tpu.dma_semaphore, #tpu.memory_space<semaphore_mem>>) src(%dma_wait3A_143 : memref<80xi32, #tpu.memory_space<hbm>>) dst(%arg8 : memref<80xi32, #tpu.memory_space<vmem>>)
        tpu.yield
      }) : () -> ()
      "tpu.region"() ({
        %run_scoped3A = tpu.sem_alloc : memref<!tpu.dma_semaphore, #tpu.memory_space<semaphore_mem>>
        %dma_start3A = tpu.memref_slice %arg5[%add3A_24] : memref<320000xi32, #tpu.memory_space<hbm>> -> memref<80xi32, #tpu.memory_space<hbm>>
        %dma_start3A_142 = tpu.memref_slice %arg5[%add3A_24] : memref<320000xi32, #tpu.memory_space<hbm>> -> memref<80xi32, #tpu.memory_space<hbm>>
        tpu.enqueue_dma source(%dma_start3A_142 : memref<80xi32, #tpu.memory_space<hbm>>) target(%arg12 : memref<80xi32, #tpu.memory_space<vmem>>) target_semaphore(%run_scoped3A : memref<!tpu.dma_semaphore, #tpu.memory_space<semaphore_mem>>)
        %dma_wait3A = tpu.memref_slice %arg5[%add3A_24] : memref<320000xi32, #tpu.memory_space<hbm>> -> memref<80xi32, #tpu.memory_space<hbm>>
        %dma_wait3A_143 = tpu.memref_slice %arg5[%add3A_24] : memref<320000xi32, #tpu.memory_space<hbm>> -> memref<80xi32, #tpu.memory_space<hbm>>
        tpu.wait_dma2 semaphore(%run_scoped3A : memref<!tpu.dma_semaphore, #tpu.memory_space<semaphore_mem>>) src(%dma_wait3A_143 : memref<80xi32, #tpu.memory_space<hbm>>) dst(%arg12 : memref<80xi32, #tpu.memory_space<vmem>>)
        tpu.yield
      }) : () -> ()
      "tpu.region"() ({
        %run_scoped3A = tpu.sem_alloc : memref<!tpu.dma_semaphore, #tpu.memory_space<semaphore_mem>>
        %dma_start3A = arith.constant 0 : i32
        %dma_start3A_142 = tpu.memref_slice %arg3[%add3A_24, %dma_start3A] : memref<320000x128xf32, #tpu.memory_space<hbm>> -> memref<80x128xf32, #tpu.memory_space<hbm>>
        %dma_start3A_143 = arith.constant 0 : i32
        %dma_start3A_144 = tpu.memref_slice %arg3[%add3A_24, %dma_start3A_143] : memref<320000x128xf32, #tpu.memory_space<hbm>> -> memref<80x128xf32, #tpu.memory_space<hbm>>
        tpu.enqueue_dma source(%dma_start3A_144 : memref<80x128xf32, #tpu.memory_space<hbm>>) target(%arg13 : memref<80x128xf32, #tpu.memory_space<vmem>>) target_semaphore(%run_scoped3A : memref<!tpu.dma_semaphore, #tpu.memory_space<semaphore_mem>>)
        %dma_wait3A = arith.constant 0 : i32
        %dma_wait3A_145 = tpu.memref_slice %arg3[%add3A_24, %dma_wait3A] : memref<320000x128xf32, #tpu.memory_space<hbm>> -> memref<80x128xf32, #tpu.memory_space<hbm>>
        %dma_wait3A_146 = arith.constant 0 : i32
        %dma_wait3A_147 = tpu.memref_slice %arg3[%add3A_24, %dma_wait3A_146] : memref<320000x128xf32, #tpu.memory_space<hbm>> -> memref<80x128xf32, #tpu.memory_space<hbm>>
        tpu.wait_dma2 semaphore(%run_scoped3A : memref<!tpu.dma_semaphore, #tpu.memory_space<semaphore_mem>>) src(%dma_wait3A_147 : memref<80x128xf32, #tpu.memory_space<hbm>>) dst(%arg13 : memref<80x128xf32, #tpu.memory_space<vmem>>)
        tpu.yield
      }) : () -> ()
      "tpu.region"() ({
        %run_scoped3A = tpu.sem_alloc : memref<!tpu.dma_semaphore, #tpu.memory_space<semaphore_mem>>
        %dma_start3A = arith.constant 0 : i32
        %dma_start3A_142 = arith.constant 0 : i32
        %dma_start3A_143 = tpu.memref_slice %arg2[%dma_start3A, %dma_start3A_142] : memref<10000x128xf32, #tpu.memory_space<hbm>> -> memref<10000x128xf32, #tpu.memory_space<hbm>>
        tpu.enqueue_indirect_dma source(%dma_start3A_143 : memref<10000x128xf32, #tpu.memory_space<hbm>>) target(%arg14 : memref<80x128xf32, #tpu.memory_space<vmem>>) offsets(%arg8 : memref<80xi32, #tpu.memory_space<vmem>>) semaphore(%run_scoped3A : memref<!tpu.dma_semaphore, #tpu.memory_space<semaphore_mem>>)
        %dma_wait3A = arith.constant 0 : i32
        %dma_wait3A_144 = arith.constant 0 : i32
        %dma_wait3A_145 = tpu.memref_slice %arg2[%dma_wait3A, %dma_wait3A_144] : memref<10000x128xf32, #tpu.memory_space<hbm>> -> memref<10000x128xf32, #tpu.memory_space<hbm>>
        tpu.wait_indirect_dma semaphore(%run_scoped3A : memref<!tpu.dma_semaphore, #tpu.memory_space<semaphore_mem>>) src(%dma_wait3A_145 : memref<10000x128xf32, #tpu.memory_space<hbm>>) dst(%arg14 : memref<80x128xf32, #tpu.memory_space<vmem>>)
        tpu.yield
      }) : () -> ()
      %get3A = arith.constant 0 : index
      %get3A_25 = tpu.vector_load %arg12[%get3A] {strides = array<i32>} : memref<80xi32, #tpu.memory_space<vmem>>, vector<16xi32>,
      %get3A_26 = vector.shape_cast %get3A_25 : vector<16xi32> to vector<16xi32>
      %shift_right_logical3A = arith.constant 2 : i32
      %shift_right_logical3A_27 = vector.broadcast %shift_right_logical3A : i32 to vector<16xi32>
      %shift_right_logical3A_28 = arith.shrui %get3A_26, %shift_right_logical3A_27 : vector<16xi32>
      %sub3A = vector.broadcast %mul3A_0 : i32 to vector<16xi32>
      %sub3A_29 = arith.subi %shift_right_logical3A_28, %sub3A : vector<16xi32>
      %ge3A = arith.constant 0 : i32
      %ge3A_30 = vector.broadcast %ge3A : i32 to vector<16xi32>
      %ge3A_31 = arith.cmpi sge, %sub3A_29, %ge3A_30 : vector<16xi32>
      %lt3A = arith.constant 5120 : i32
      %lt3A_32 = vector.broadcast %lt3A : i32 to vector<16xi32>
      %lt3A_33 = arith.cmpi slt, %sub3A_29, %lt3A_32 : vector<16xi32>
      %and3A = arith.andi %ge3A_31, %lt3A_33 : vector<16xi1>
      %iota3A = tpu.iota {dimensions = array<i32: 0>} : vector<16xi32>
      %add3A_34 = arith.constant 5120 : i32
      %add3A_35 = vector.broadcast %add3A_34 : i32 to vector<16xi32>
      %add3A_36 = arith.addi %iota3A, %add3A_35 : vector<16xi32>
      %select_n3A = arith.select %and3A, %sub3A_29, %add3A_36 : vector<16xi1>, vector<16xi32>
      %swap3A = arith.constant 0 : index
      %swap3A_37 = tpu.vector_load %arg9[%swap3A] {strides = array<i32>} : memref<80xi32, #tpu.memory_space<vmem>>, vector<16xi32>,
      %swap3A_38 = vector.shape_cast %swap3A_37 : vector<16xi32> to vector<16xi32>
      %swap3A_39 = vector.shape_cast %select_n3A : vector<16xi32> to vector<16xi32>
      tpu.vector_store %arg9[%swap3A], %swap3A_39 {strides = array<i32>} : memref<80xi32, #tpu.memory_space<vmem>>, vector<16xi32>,
      %get3A_40 = arith.constant 16 : index
      %get3A_41 = tpu.vector_load %arg12[%get3A_40] {strides = array<i32>} : memref<80xi32, #tpu.memory_space<vmem>>, vector<16xi32>,
      %get3A_42 = vector.shape_cast %get3A_41 : vector<16xi32> to vector<16xi32>
      %shift_right_logical3A_43 = arith.constant 2 : i32
      %shift_right_logical3A_44 = vector.broadcast %shift_right_logical3A_43 : i32 to vector<16xi32>
      %shift_right_logical3A_45 = arith.shrui %get3A_42, %shift_right_logical3A_44 : vector<16xi32>
      %sub3A_46 = vector.broadcast %mul3A_0 : i32 to vector<16xi32>
      %sub3A_47 = arith.subi %shift_right_logical3A_45, %sub3A_46 : vector<16xi32>
      %ge3A_48 = arith.constant 0 : i32
      %ge3A_49 = vector.broadcast %ge3A_48 : i32 to vector<16xi32>
      %ge3A_50 = arith.cmpi sge, %sub3A_47, %ge3A_49 : vector<16xi32>
      %lt3A_51 = arith.constant 5120 : i32
      %lt3A_52 = vector.broadcast %lt3A_51 : i32 to vector<16xi32>
      %lt3A_53 = arith.cmpi slt, %sub3A_47, %lt3A_52 : vector<16xi32>
      %and3A_54 = arith.andi %ge3A_50, %lt3A_53 : vector<16xi1>
      %iota3A_55 = tpu.iota {dimensions = array<i32: 0>} : vector<16xi32>
      %add3A_56 = arith.constant 5136 : i32
      %add3A_57 = vector.broadcast %add3A_56 : i32 to vector<16xi32>
      %add3A_58 = arith.addi %iota3A_55, %add3A_57 : vector<16xi32>
      %select_n3A_59 = arith.select %and3A_54, %sub3A_47, %add3A_58 : vector<16xi1>, vector<16xi32>
      %swap3A_60 = arith.constant 16 : index
      %swap3A_61 = tpu.vector_load %arg9[%swap3A_60] {strides = array<i32>} : memref<80xi32, #tpu.memory_space<vmem>>, vector<16xi32>,
      %swap3A_62 = vector.shape_cast %swap3A_61 : vector<16xi32> to vector<16xi32>
      %swap3A_63 = vector.shape_cast %select_n3A_59 : vector<16xi32> to vector<16xi32>
      tpu.vector_store %arg9[%swap3A_60], %swap3A_63 {strides = array<i32>} : memref<80xi32, #tpu.memory_space<vmem>>, vector<16xi32>,
      %get3A_64 = arith.constant 32 : index
      %get3A_65 = tpu.vector_load %arg12[%get3A_64] {strides = array<i32>} : memref<80xi32, #tpu.memory_space<vmem>>, vector<16xi32>,
      %get3A_66 = vector.shape_cast %get3A_65 : vector<16xi32> to vector<16xi32>
      %shift_right_logical3A_67 = arith.constant 2 : i32
      %shift_right_logical3A_68 = vector.broadcast %shift_right_logical3A_67 : i32 to vector<16xi32>
      %shift_right_logical3A_69 = arith.shrui %get3A_66, %shift_right_logical3A_68 : vector<16xi32>
      %sub3A_70 = vector.broadcast %mul3A_0 : i32 to vector<16xi32>
      %sub3A_71 = arith.subi %shift_right_logical3A_69, %sub3A_70 : vector<16xi32>
      %ge3A_72 = arith.constant 0 : i32
      %ge3A_73 = vector.broadcast %ge3A_72 : i32 to vector<16xi32>
      %ge3A_74 = arith.cmpi sge, %sub3A_71, %ge3A_73 : vector<16xi32>
      %lt3A_75 = arith.constant 5120 : i32
      %lt3A_76 = vector.broadcast %lt3A_75 : i32 to vector<16xi32>
      %lt3A_77 = arith.cmpi slt, %sub3A_71, %lt3A_76 : vector<16xi32>
      %and3A_78 = arith.andi %ge3A_74, %lt3A_77 : vector<16xi1>
      %iota3A_79 = tpu.iota {dimensions = array<i32: 0>} : vector<16xi32>
      %add3A_80 = arith.constant 5152 : i32
      %add3A_81 = vector.broadcast %add3A_80 : i32 to vector<16xi32>
      %add3A_82 = arith.addi %iota3A_79, %add3A_81 : vector<16xi32>
      %select_n3A_83 = arith.select %and3A_78, %sub3A_71, %add3A_82 : vector<16xi1>, vector<16xi32>
      %swap3A_84 = arith.constant 32 : index
      %swap3A_85 = tpu.vector_load %arg9[%swap3A_84] {strides = array<i32>} : memref<80xi32, #tpu.memory_space<vmem>>, vector<16xi32>,
      %swap3A_86 = vector.shape_cast %swap3A_85 : vector<16xi32> to vector<16xi32>
      %swap3A_87 = vector.shape_cast %select_n3A_83 : vector<16xi32> to vector<16xi32>
      tpu.vector_store %arg9[%swap3A_84], %swap3A_87 {strides = array<i32>} : memref<80xi32, #tpu.memory_space<vmem>>, vector<16xi32>,
      %get3A_88 = arith.constant 48 : index
      %get3A_89 = tpu.vector_load %arg12[%get3A_88] {strides = array<i32>} : memref<80xi32, #tpu.memory_space<vmem>>, vector<16xi32>,
      %get3A_90 = vector.shape_cast %get3A_89 : vector<16xi32> to vector<16xi32>
      %shift_right_logical3A_91 = arith.constant 2 : i32
      %shift_right_logical3A_92 = vector.broadcast %shift_right_logical3A_91 : i32 to vector<16xi32>
      %shift_right_logical3A_93 = arith.shrui %get3A_90, %shift_right_logical3A_92 : vector<16xi32>
      %sub3A_94 = vector.broadcast %mul3A_0 : i32 to vector<16xi32>
      %sub3A_95 = arith.subi %shift_right_logical3A_93, %sub3A_94 : vector<16xi32>
      %ge3A_96 = arith.constant 0 : i32
      %ge3A_97 = vector.broadcast %ge3A_96 : i32 to vector<16xi32>
      %ge3A_98 = arith.cmpi sge, %sub3A_95, %ge3A_97 : vector<16xi32>
      %lt3A_99 = arith.constant 5120 : i32
      %lt3A_100 = vector.broadcast %lt3A_99 : i32 to vector<16xi32>
      %lt3A_101 = arith.cmpi slt, %sub3A_95, %lt3A_100 : vector<16xi32>
      %and3A_102 = arith.andi %ge3A_98, %lt3A_101 : vector<16xi1>
      %iota3A_103 = tpu.iota {dimensions = array<i32: 0>} : vector<16xi32>
      %add3A_104 = arith.constant 5168 : i32
      %add3A_105 = vector.broadcast %add3A_104 : i32 to vector<16xi32>
      %add3A_106 = arith.addi %iota3A_103, %add3A_105 : vector<16xi32>
      %select_n3A_107 = arith.select %and3A_102, %sub3A_95, %add3A_106 : vector<16xi1>, vector<16xi32>
      %swap3A_108 = arith.constant 48 : index
      %swap3A_109 = tpu.vector_load %arg9[%swap3A_108] {strides = array<i32>} : memref<80xi32, #tpu.memory_space<vmem>>, vector<16xi32>,
      %swap3A_110 = vector.shape_cast %swap3A_109 : vector<16xi32> to vector<16xi32>
      %swap3A_111 = vector.shape_cast %select_n3A_107 : vector<16xi32> to vector<16xi32>
      tpu.vector_store %arg9[%swap3A_108], %swap3A_111 {strides = array<i32>} : memref<80xi32, #tpu.memory_space<vmem>>, vector<16xi32>,
      %get3A_112 = arith.constant 64 : index
      %get3A_113 = tpu.vector_load %arg12[%get3A_112] {strides = array<i32>} : memref<80xi32, #tpu.memory_space<vmem>>, vector<16xi32>,
      %get3A_114 = vector.shape_cast %get3A_113 : vector<16xi32> to vector<16xi32>
      %shift_right_logical3A_115 = arith.constant 2 : i32
      %shift_right_logical3A_116 = vector.broadcast %shift_right_logical3A_115 : i32 to vector<16xi32>
      %shift_right_logical3A_117 = arith.shrui %get3A_114, %shift_right_logical3A_116 : vector<16xi32>
      %sub3A_118 = vector.broadcast %mul3A_0 : i32 to vector<16xi32>
      %sub3A_119 = arith.subi %shift_right_logical3A_117, %sub3A_118 : vector<16xi32>
      %ge3A_120 = arith.constant 0 : i32
      %ge3A_121 = vector.broadcast %ge3A_120 : i32 to vector<16xi32>
      %ge3A_122 = arith.cmpi sge, %sub3A_119, %ge3A_121 : vector<16xi32>
      %lt3A_123 = arith.constant 5120 : i32
      %lt3A_124 = vector.broadcast %lt3A_123 : i32 to vector<16xi32>
      %lt3A_125 = arith.cmpi slt, %sub3A_119, %lt3A_124 : vector<16xi32>
      %and3A_126 = arith.andi %ge3A_122, %lt3A_125 : vector<16xi1>
      %iota3A_127 = tpu.iota {dimensions = array<i32: 0>} : vector<16xi32>
      %add3A_128 = arith.constant 5184 : i32
      %add3A_129 = vector.broadcast %add3A_128 : i32 to vector<16xi32>
      %add3A_130 = arith.addi %iota3A_127, %add3A_129 : vector<16xi32>
      %select_n3A_131 = arith.select %and3A_126, %sub3A_119, %add3A_130 : vector<16xi1>, vector<16xi32>
      %swap3A_132 = arith.constant 64 : index
      %swap3A_133 = tpu.vector_load %arg9[%swap3A_132] {strides = array<i32>} : memref<80xi32, #tpu.memory_space<vmem>>, vector<16xi32>,
      %swap3A_134 = vector.shape_cast %swap3A_133 : vector<16xi32> to vector<16xi32>
      %swap3A_135 = vector.shape_cast %select_n3A_131 : vector<16xi32> to vector<16xi32>
      tpu.vector_store %arg9[%swap3A_132], %swap3A_135 {strides = array<i32>} : memref<80xi32, #tpu.memory_space<vmem>>, vector<16xi32>,
      %scan3A_136 = arith.constant 0 : i32
      %scan3A_137 = arith.constant 0 : i32
      %scan3A_138 = arith.constant 80 : i32
      %scan3A_139 = arith.addi %scan3A_137, %scan3A_138 : i32
      %scan3A_140 = arith.constant 1 : i32
      scf.for %scan3A_142 = %scan3A_137 to %scan3A_139 step %scan3A_140  : i32 {
        %get3A_143 = arith.index_cast %scan3A_142 : i32 to index
        %get3A_144 = arith.constant 0 : index
        %get3A_145 = tpu.vector_load %arg13[%get3A_143, %get3A_144] {strides = array<i32>} : memref<80x128xf32, #tpu.memory_space<vmem>>, vector<1x16xf32>,
        %get3A_146 = vector.shape_cast %get3A_145 : vector<1x16xf32> to vector<16xf32>
        %get3A_147 = arith.index_cast %scan3A_142 : i32 to index
        %get3A_148 = arith.constant 0 : index
        %get3A_149 = tpu.vector_load %arg14[%get3A_147, %get3A_148] {strides = array<i32>} : memref<80x128xf32, #tpu.memory_space<vmem>>, vector<1x16xf32>,
        %get3A_150 = vector.shape_cast %get3A_149 : vector<1x16xf32> to vector<16xf32>
        %add3A_151 = arith.addf %get3A_146, %get3A_150 : vector<16xf32>
        %max3A = arith.constant 0.000000e+00 : f32
        %max3A_152 = vector.broadcast %max3A : f32 to vector<16xf32>
        %max3A_153 = arith.maximumf %add3A_151, %max3A_152 : vector<16xf32>
        %swap3A_154 = arith.index_cast %scan3A_142 : i32 to index
        %swap3A_155 = arith.constant 0 : index
        %swap3A_156 = tpu.vector_load %arg13[%swap3A_154, %swap3A_155] {strides = array<i32>} : memref<80x128xf32, #tpu.memory_space<vmem>>, vector<1x16xf32>,
        %swap3A_157 = vector.shape_cast %swap3A_156 : vector<1x16xf32> to vector<16xf32>
        %swap3A_158 = vector.shape_cast %max3A_153 : vector<16xf32> to vector<1x16xf32>
        tpu.vector_store %arg13[%swap3A_154, %swap3A_155], %swap3A_158 {strides = array<i32>} : memref<80x128xf32, #tpu.memory_space<vmem>>, vector<1x16xf32>,
        %get3A_159 = arith.index_cast %scan3A_142 : i32 to index
        %get3A_160 = arith.constant 16 : index
        %get3A_161 = tpu.vector_load %arg13[%get3A_159, %get3A_160] {strides = array<i32>} : memref<80x128xf32, #tpu.memory_space<vmem>>, vector<1x16xf32>,
        %get3A_162 = vector.shape_cast %get3A_161 : vector<1x16xf32> to vector<16xf32>
        %get3A_163 = arith.index_cast %scan3A_142 : i32 to index
        %get3A_164 = arith.constant 16 : index
        %get3A_165 = tpu.vector_load %arg14[%get3A_163, %get3A_164] {strides = array<i32>} : memref<80x128xf32, #tpu.memory_space<vmem>>, vector<1x16xf32>,
        %get3A_166 = vector.shape_cast %get3A_165 : vector<1x16xf32> to vector<16xf32>
        %add3A_167 = arith.addf %get3A_162, %get3A_166 : vector<16xf32>
        %max3A_168 = arith.constant 0.000000e+00 : f32
        %max3A_169 = vector.broadcast %max3A_168 : f32 to vector<16xf32>
        %max3A_170 = arith.maximumf %add3A_167, %max3A_169 : vector<16xf32>
        %swap3A_171 = arith.index_cast %scan3A_142 : i32 to index
        %swap3A_172 = arith.constant 16 : index
        %swap3A_173 = tpu.vector_load %arg13[%swap3A_171, %swap3A_172] {strides = array<i32>} : memref<80x128xf32, #tpu.memory_space<vmem>>, vector<1x16xf32>,
        %swap3A_174 = vector.shape_cast %swap3A_173 : vector<1x16xf32> to vector<16xf32>
        %swap3A_175 = vector.shape_cast %max3A_170 : vector<16xf32> to vector<1x16xf32>
        tpu.vector_store %arg13[%swap3A_171, %swap3A_172], %swap3A_175 {strides = array<i32>} : memref<80x128xf32, #tpu.memory_space<vmem>>, vector<1x16xf32>,
        %get3A_176 = arith.index_cast %scan3A_142 : i32 to index
        %get3A_177 = arith.constant 32 : index
        %get3A_178 = tpu.vector_load %arg13[%get3A_176, %get3A_177] {strides = array<i32>} : memref<80x128xf32, #tpu.memory_space<vmem>>, vector<1x16xf32>,
        %get3A_179 = vector.shape_cast %get3A_178 : vector<1x16xf32> to vector<16xf32>
        %get3A_180 = arith.index_cast %scan3A_142 : i32 to index
        %get3A_181 = arith.constant 32 : index
        %get3A_182 = tpu.vector_load %arg14[%get3A_180, %get3A_181] {strides = array<i32>} : memref<80x128xf32, #tpu.memory_space<vmem>>, vector<1x16xf32>,
        %get3A_183 = vector.shape_cast %get3A_182 : vector<1x16xf32> to vector<16xf32>
        %add3A_184 = arith.addf %get3A_179, %get3A_183 : vector<16xf32>
        %max3A_185 = arith.constant 0.000000e+00 : f32
        %max3A_186 = vector.broadcast %max3A_185 : f32 to vector<16xf32>
        %max3A_187 = arith.maximumf %add3A_184, %max3A_186 : vector<16xf32>
        %swap3A_188 = arith.index_cast %scan3A_142 : i32 to index
        %swap3A_189 = arith.constant 32 : index
        %swap3A_190 = tpu.vector_load %arg13[%swap3A_188, %swap3A_189] {strides = array<i32>} : memref<80x128xf32, #tpu.memory_space<vmem>>, vector<1x16xf32>,
        %swap3A_191 = vector.shape_cast %swap3A_190 : vector<1x16xf32> to vector<16xf32>
        %swap3A_192 = vector.shape_cast %max3A_187 : vector<16xf32> to vector<1x16xf32>
        tpu.vector_store %arg13[%swap3A_188, %swap3A_189], %swap3A_192 {strides = array<i32>} : memref<80x128xf32, #tpu.memory_space<vmem>>, vector<1x16xf32>,
        %get3A_193 = arith.index_cast %scan3A_142 : i32 to index
        %get3A_194 = arith.constant 48 : index
        %get3A_195 = tpu.vector_load %arg13[%get3A_193, %get3A_194] {strides = array<i32>} : memref<80x128xf32, #tpu.memory_space<vmem>>, vector<1x16xf32>,
        %get3A_196 = vector.shape_cast %get3A_195 : vector<1x16xf32> to vector<16xf32>
        %get3A_197 = arith.index_cast %scan3A_142 : i32 to index
        %get3A_198 = arith.constant 48 : index
        %get3A_199 = tpu.vector_load %arg14[%get3A_197, %get3A_198] {strides = array<i32>} : memref<80x128xf32, #tpu.memory_space<vmem>>, vector<1x16xf32>,
        %get3A_200 = vector.shape_cast %get3A_199 : vector<1x16xf32> to vector<16xf32>
        %add3A_201 = arith.addf %get3A_196, %get3A_200 : vector<16xf32>
        %max3A_202 = arith.constant 0.000000e+00 : f32
        %max3A_203 = vector.broadcast %max3A_202 : f32 to vector<16xf32>
        %max3A_204 = arith.maximumf %add3A_201, %max3A_203 : vector<16xf32>
        %swap3A_205 = arith.index_cast %scan3A_142 : i32 to index
        %swap3A_206 = arith.constant 48 : index
        %swap3A_207 = tpu.vector_load %arg13[%swap3A_205, %swap3A_206] {strides = array<i32>} : memref<80x128xf32, #tpu.memory_space<vmem>>, vector<1x16xf32>,
        %swap3A_208 = vector.shape_cast %swap3A_207 : vector<1x16xf32> to vector<16xf32>
        %swap3A_209 = vector.shape_cast %max3A_204 : vector<16xf32> to vector<1x16xf32>
        tpu.vector_store %arg13[%swap3A_205, %swap3A_206], %swap3A_209 {strides = array<i32>} : memref<80x128xf32, #tpu.memory_space<vmem>>, vector<1x16xf32>,
        %get3A_210 = arith.index_cast %scan3A_142 : i32 to index
        %get3A_211 = arith.constant 64 : index
        %get3A_212 = tpu.vector_load %arg13[%get3A_210, %get3A_211] {strides = array<i32>} : memref<80x128xf32, #tpu.memory_space<vmem>>, vector<1x16xf32>,
        %get3A_213 = vector.shape_cast %get3A_212 : vector<1x16xf32> to vector<16xf32>
        %get3A_214 = arith.index_cast %scan3A_142 : i32 to index
        %get3A_215 = arith.constant 64 : index
        %get3A_216 = tpu.vector_load %arg14[%get3A_214, %get3A_215] {strides = array<i32>} : memref<80x128xf32, #tpu.memory_space<vmem>>, vector<1x16xf32>,
        %get3A_217 = vector.shape_cast %get3A_216 : vector<1x16xf32> to vector<16xf32>
        %add3A_218 = arith.addf %get3A_213, %get3A_217 : vector<16xf32>
        %max3A_219 = arith.constant 0.000000e+00 : f32
        %max3A_220 = vector.broadcast %max3A_219 : f32 to vector<16xf32>
        %max3A_221 = arith.maximumf %add3A_218, %max3A_220 : vector<16xf32>
        %swap3A_222 = arith.index_cast %scan3A_142 : i32 to index
        %swap3A_223 = arith.constant 64 : index
        %swap3A_224 = tpu.vector_load %arg13[%swap3A_222, %swap3A_223] {strides = array<i32>} : memref<80x128xf32, #tpu.memory_space<vmem>>, vector<1x16xf32>,
        %swap3A_225 = vector.shape_cast %swap3A_224 : vector<1x16xf32> to vector<16xf32>
        %swap3A_226 = vector.shape_cast %max3A_221 : vector<16xf32> to vector<1x16xf32>
        tpu.vector_store %arg13[%swap3A_222, %swap3A_223], %swap3A_226 {strides = array<i32>} : memref<80x128xf32, #tpu.memory_space<vmem>>, vector<1x16xf32>,
        %get3A_227 = arith.index_cast %scan3A_142 : i32 to index
        %get3A_228 = arith.constant 80 : index
        %get3A_229 = tpu.vector_load %arg13[%get3A_227, %get3A_228] {strides = array<i32>} : memref<80x128xf32, #tpu.memory_space<vmem>>, vector<1x16xf32>,
        %get3A_230 = vector.shape_cast %get3A_229 : vector<1x16xf32> to vector<16xf32>
        %get3A_231 = arith.index_cast %scan3A_142 : i32 to index
        %get3A_232 = arith.constant 80 : index
        %get3A_233 = tpu.vector_load %arg14[%get3A_231, %get3A_232] {strides = array<i32>} : memref<80x128xf32, #tpu.memory_space<vmem>>, vector<1x16xf32>,
        %get3A_234 = vector.shape_cast %get3A_233 : vector<1x16xf32> to vector<16xf32>
        %add3A_235 = arith.addf %get3A_230, %get3A_234 : vector<16xf32>
        %max3A_236 = arith.constant 0.000000e+00 : f32
        %max3A_237 = vector.broadcast %max3A_236 : f32 to vector<16xf32>
        %max3A_238 = arith.maximumf %add3A_235, %max3A_237 : vector<16xf32>
        %swap3A_239 = arith.index_cast %scan3A_142 : i32 to index
        %swap3A_240 = arith.constant 80 : index
        %swap3A_241 = tpu.vector_load %arg13[%swap3A_239, %swap3A_240] {strides = array<i32>} : memref<80x128xf32, #tpu.memory_space<vmem>>, vector<1x16xf32>,
        %swap3A_242 = vector.shape_cast %swap3A_241 : vector<1x16xf32> to vector<16xf32>
        %swap3A_243 = vector.shape_cast %max3A_238 : vector<16xf32> to vector<1x16xf32>
        tpu.vector_store %arg13[%swap3A_239, %swap3A_240], %swap3A_243 {strides = array<i32>} : memref<80x128xf32, #tpu.memory_space<vmem>>, vector<1x16xf32>,
        %get3A_244 = arith.index_cast %scan3A_142 : i32 to index
        %get3A_245 = arith.constant 96 : index
        %get3A_246 = tpu.vector_load %arg13[%get3A_244, %get3A_245] {strides = array<i32>} : memref<80x128xf32, #tpu.memory_space<vmem>>, vector<1x16xf32>,
        %get3A_247 = vector.shape_cast %get3A_246 : vector<1x16xf32> to vector<16xf32>
        %get3A_248 = arith.index_cast %scan3A_142 : i32 to index
        %get3A_249 = arith.constant 96 : index
        %get3A_250 = tpu.vector_load %arg14[%get3A_248, %get3A_249] {strides = array<i32>} : memref<80x128xf32, #tpu.memory_space<vmem>>, vector<1x16xf32>,
        %get3A_251 = vector.shape_cast %get3A_250 : vector<1x16xf32> to vector<16xf32>
        %add3A_252 = arith.addf %get3A_247, %get3A_251 : vector<16xf32>
        %max3A_253 = arith.constant 0.000000e+00 : f32
        %max3A_254 = vector.broadcast %max3A_253 : f32 to vector<16xf32>
        %max3A_255 = arith.maximumf %add3A_252, %max3A_254 : vector<16xf32>
        %swap3A_256 = arith.index_cast %scan3A_142 : i32 to index
        %swap3A_257 = arith.constant 96 : index
        %swap3A_258 = tpu.vector_load %arg13[%swap3A_256, %swap3A_257] {strides = array<i32>} : memref<80x128xf32, #tpu.memory_space<vmem>>, vector<1x16xf32>,
        %swap3A_259 = vector.shape_cast %swap3A_258 : vector<1x16xf32> to vector<16xf32>
        %swap3A_260 = vector.shape_cast %max3A_255 : vector<16xf32> to vector<1x16xf32>
        tpu.vector_store %arg13[%swap3A_256, %swap3A_257], %swap3A_260 {strides = array<i32>} : memref<80x128xf32, #tpu.memory_space<vmem>>, vector<1x16xf32>,
        %get3A_261 = arith.index_cast %scan3A_142 : i32 to index
        %get3A_262 = arith.constant 112 : index
        %get3A_263 = tpu.vector_load %arg13[%get3A_261, %get3A_262] {strides = array<i32>} : memref<80x128xf32, #tpu.memory_space<vmem>>, vector<1x16xf32>,
        %get3A_264 = vector.shape_cast %get3A_263 : vector<1x16xf32> to vector<16xf32>
        %get3A_265 = arith.index_cast %scan3A_142 : i32 to index
        %get3A_266 = arith.constant 112 : index
        %get3A_267 = tpu.vector_load %arg14[%get3A_265, %get3A_266] {strides = array<i32>} : memref<80x128xf32, #tpu.memory_space<vmem>>, vector<1x16xf32>,
        %get3A_268 = vector.shape_cast %get3A_267 : vector<1x16xf32> to vector<16xf32>
        %add3A_269 = arith.addf %get3A_264, %get3A_268 : vector<16xf32>
        %max3A_270 = arith.constant 0.000000e+00 : f32
        %max3A_271 = vector.broadcast %max3A_270 : f32 to vector<16xf32>
        %max3A_272 = arith.maximumf %add3A_269, %max3A_271 : vector<16xf32>
        %swap3A_273 = arith.index_cast %scan3A_142 : i32 to index
        %swap3A_274 = arith.constant 112 : index
        %swap3A_275 = tpu.vector_load %arg13[%swap3A_273, %swap3A_274] {strides = array<i32>} : memref<80x128xf32, #tpu.memory_space<vmem>>, vector<1x16xf32>,
        %swap3A_276 = vector.shape_cast %swap3A_275 : vector<1x16xf32> to vector<16xf32>
        %swap3A_277 = vector.shape_cast %max3A_272 : vector<16xf32> to vector<1x16xf32>
        tpu.vector_store %arg13[%swap3A_273, %swap3A_274], %swap3A_277 {strides = array<i32>} : memref<80x128xf32, #tpu.memory_space<vmem>>, vector<1x16xf32>,
      }
      %scan3A_141 = arith.constant 80 : i32
      "tpu.region"() ({
        %run_scoped3A = tpu.sem_alloc : memref<!tpu.dma_semaphore, #tpu.memory_space<semaphore_mem>>
        %dma_start3A = arith.constant 0 : i32
        %dma_start3A_142 = arith.constant 0 : i32
        %dma_start3A_143 = tpu.memref_slice %arg16[%dma_start3A, %dma_start3A_142] : memref<5248x128xf32, #tpu.memory_space<vmem_shared>> -> memref<5248x128xf32, #tpu.memory_space<vmem_shared>>
        tpu.enqueue_indirect_dma source(%arg13 : memref<80x128xf32, #tpu.memory_space<vmem>>) target(%dma_start3A_143 : memref<5248x128xf32, #tpu.memory_space<vmem_shared>>) offsets(%arg9 : memref<80xi32, #tpu.memory_space<vmem>>) semaphore(%run_scoped3A : memref<!tpu.dma_semaphore, #tpu.memory_space<semaphore_mem>>) {add = true}
        %dma_wait3A = arith.constant 0 : i32
        %dma_wait3A_144 = arith.constant 0 : i32
        %dma_wait3A_145 = tpu.memref_slice %arg16[%dma_wait3A, %dma_wait3A_144] : memref<5248x128xf32, #tpu.memory_space<vmem_shared>> -> memref<5248x128xf32, #tpu.memory_space<vmem_shared>>
        tpu.wait_indirect_dma semaphore(%run_scoped3A : memref<!tpu.dma_semaphore, #tpu.memory_space<semaphore_mem>>) src(%arg13 : memref<80x128xf32, #tpu.memory_space<vmem>>) dst(%dma_wait3A_145 : memref<5248x128xf32, #tpu.memory_space<vmem_shared>>)
        tpu.yield
      }) : () -> ()
    }
    %scan3A_13 = arith.constant 250 : i32
    %barrier3A_14 = arith.constant 0 : index
    tpu.barrier barrier_id(%barrier3A_14)
    %mul3A_15 = arith.constant 320 : i32
    %mul3A_16 = arith.muli %arg1, %mul3A_15 : i32
    %mul3A_17 = arith.constant 320 : i32
    %mul3A_18 = arith.muli %arg1, %mul3A_17 : i32
    %add3A = arith.addi %mul3A_0, %mul3A_18 : i32
    "tpu.region"() ({
      %run_scoped3A = tpu.sem_alloc : memref<!tpu.dma_semaphore, #tpu.memory_space<semaphore_mem>>
      %dma_start3A = arith.constant 0 : i32
      %dma_start3A_19 = tpu.memref_slice %arg6[%add3A, %dma_start3A] : memref<10240x128xf32, #tpu.memory_space<hbm>> -> memref<320x128xf32, #tpu.memory_space<hbm>>
      %dma_start3A_20 = arith.constant 0 : i32
      %dma_start3A_21 = tpu.memref_slice %arg16[%mul3A_16, %dma_start3A_20] : memref<5248x128xf32, #tpu.memory_space<vmem_shared>> -> memref<320x128xf32, #tpu.memory_space<vmem_shared>>
      tpu.enqueue_dma source(%dma_start3A_21 : memref<320x128xf32, #tpu.memory_space<vmem_shared>>) target(%dma_start3A_19 : memref<320x128xf32, #tpu.memory_space<hbm>>) target_semaphore(%run_scoped3A : memref<!tpu.dma_semaphore, #tpu.memory_space<semaphore_mem>>)
      %dma_wait3A = arith.constant 0 : i32
      %dma_wait3A_22 = tpu.memref_slice %arg6[%add3A, %dma_wait3A] : memref<10240x128xf32, #tpu.memory_space<hbm>> -> memref<320x128xf32, #tpu.memory_space<hbm>>
      %dma_wait3A_23 = arith.constant 0 : i32
      %dma_wait3A_24 = tpu.memref_slice %arg16[%mul3A_16, %dma_wait3A_23] : memref<5248x128xf32, #tpu.memory_space<vmem_shared>> -> memref<320x128xf32, #tpu.memory_space<vmem_shared>>
      tpu.wait_dma2 semaphore(%run_scoped3A : memref<!tpu.dma_semaphore, #tpu.memory_space<semaphore_mem>>) src(%dma_wait3A_24 : memref<320x128xf32, #tpu.memory_space<vmem_shared>>) dst(%dma_wait3A_22 : memref<320x128xf32, #tpu.memory_space<hbm>>)
      tpu.yield
    }) : () -> ()
    return
  }
}

module attributes {stable_mosaic.version = 14 : i64} {
  func.func @_dense_mish_body(%arg0: i32, %arg1: memref<2000x128xf32, #tpu.memory_space<vmem>>, %arg2: memref<128x128xf32, #tpu.memory_space<vmem>>, %arg3: memref<1x128xf32, #tpu.memory_space<vmem>>, %arg4: memref<2000x128xf32, #tpu.memory_space<vmem>>) attributes {dimension_semantics = [#tpu.dimension_semantics<arbitrary>], iteration_bounds = array<i64: 5>, scalar_prefetch = 0 : i64, scratch_operands = 0 : i64, tpu.core_type = #tpu.core_type<tc>, window_params = [{transform_indices = @transform_0, window_bounds = array<i64: 2000, 128>}, {pipeline_mode = #tpu.pipeline_mode<synchronous>, transform_indices = @transform_1, window_bounds = array<i64: 128, 128>}, {pipeline_mode = #tpu.pipeline_mode<synchronous>, transform_indices = @transform_2, window_bounds = array<i64: 1, 128>}, {transform_indices = @transform_3, window_bounds = array<i64: 2000, 128>}]} {
    %get3A = arith.constant 0 : index
    %get3A_0 = arith.constant 0 : index
    %get3A_1 = vector.load %arg1[%get3A, %get3A_0] : memref<2000x128xf32, #tpu.memory_space<vmem>>, vector<2000x128xf32>
    %convert_element_type3A = arith.truncf %get3A_1 : vector<2000x128xf32> to vector<2000x128xbf16>
    %get3A_2 = arith.constant 0 : index
    %get3A_3 = arith.constant 0 : index
    %get3A_4 = vector.load %arg2[%get3A_2, %get3A_3] : memref<128x128xf32, #tpu.memory_space<vmem>>, vector<128x128xf32>
    %convert_element_type3A_5 = arith.truncf %get3A_4 : vector<128x128xf32> to vector<128x128xbf16>
    %dot_general3A = arith.constant dense<0.000000e+00> : vector<2000x128xf32>
    %dot_general3A_6 = tpu.matmul %convert_element_type3A, %convert_element_type3A_5, %dot_general3A {dimension_numbers = #tpu.dot_dimension_numbers<[1], [0], [0], [1], [0, 0, 1, 1], [], []>, transpose_lhs_hint = false} : vector<2000x128xbf16>, vector<128x128xbf16>, vector<2000x128xf32> -> vector<2000x128xf32>
    %get3A_7 = arith.constant 0 : index
    %get3A_8 = arith.constant 0 : index
    %get3A_9 = vector.load %arg3[%get3A_7, %get3A_8] : memref<1x128xf32, #tpu.memory_space<vmem>>, vector<1x128xf32>
    %add3A = vector.broadcast %get3A_9 : vector<1x128xf32> to vector<2000x128xf32>
    %add3A_10 = arith.addf %dot_general3A_6, %add3A : vector<2000x128xf32>
    %max3A = arith.constant 0.000000e+00 : f32
    %max3A_11 = vector.broadcast %max3A : f32 to vector<2000x128xf32>
    %max3A_12 = arith.maximumf %add3A_10, %max3A_11 : vector<2000x128xf32>
    %abs3A = math.absf %add3A_10 : vector<2000x128xf32>
    %neg3A = arith.constant 0.000000e+00 : f32
    %neg3A_13 = vector.broadcast %neg3A : f32 to vector<2000x128xf32>
    %neg3A_14 = arith.subf %neg3A_13, %abs3A : vector<2000x128xf32>
    %exp3A = math.exp %neg3A_14 : vector<2000x128xf32>
    %log1p3A = math.log1p %exp3A : vector<2000x128xf32>
    %add3A_15 = arith.addf %max3A_12, %log1p3A : vector<2000x128xf32>
    %tanh3A = math.tanh %add3A_15 : vector<2000x128xf32>
    %mul3A = arith.mulf %add3A_10, %tanh3A : vector<2000x128xf32>
    %swap3A = arith.constant 0 : index
    %swap3A_16 = arith.constant 0 : index
    %swap3A_17 = vector.load %arg4[%swap3A, %swap3A_16] : memref<2000x128xf32, #tpu.memory_space<vmem>>, vector<2000x128xf32>
    tpu.vector_store %arg4[%swap3A, %swap3A_16], %mul3A {strides = array<i32>} : memref<2000x128xf32, #tpu.memory_space<vmem>>, vector<2000x128xf32>,
    return
  }
  func.func @transform_0(%arg0: i32) -> (i32, i32) {
    %c0_i32 = arith.constant 0 : i32
    %c0_i32_0 = arith.constant 0 : i32
    return %arg0, %c0_i32 : i32, i32
  }
  func.func @transform_1(%arg0: i32) -> (i32, i32) {
    %c0_i32 = arith.constant 0 : i32
    %c0_i32_0 = arith.constant 0 : i32
    %c0_i32_1 = arith.constant 0 : i32
    return %c0_i32, %c0_i32_0 : i32, i32
  }
  func.func @transform_2(%arg0: i32) -> (i32, i32) {
    %c0_i32 = arith.constant 0 : i32
    %c0_i32_0 = arith.constant 0 : i32
    %c0_i32_1 = arith.constant 0 : i32
    return %c0_i32, %c0_i32_0 : i32, i32
  }
  func.func @transform_3(%arg0: i32) -> (i32, i32) {
    %c0_i32 = arith.constant 0 : i32
    %c0_i32_0 = arith.constant 0 : i32
    return %arg0, %c0_i32 : i32, i32
  }
}

module attributes {stable_mosaic.version = 14 : i64} {
  func.func @_dense_mish_body(%arg0: i32, %arg1: memref<2000x128xf32, #tpu.memory_space<vmem>>, %arg2: memref<128x128xf32, #tpu.memory_space<vmem>>, %arg3: memref<1x128xf32, #tpu.memory_space<vmem>>, %arg4: memref<2000x128xf32, #tpu.memory_space<vmem>>) attributes {dimension_semantics = [#tpu.dimension_semantics<arbitrary>], iteration_bounds = array<i64: 160>, scalar_prefetch = 0 : i64, scratch_operands = 0 : i64, tpu.core_type = #tpu.core_type<tc>, window_params = [{transform_indices = @transform_0, window_bounds = array<i64: 2000, 128>}, {pipeline_mode = #tpu.pipeline_mode<synchronous>, transform_indices = @transform_1, window_bounds = array<i64: 128, 128>}, {pipeline_mode = #tpu.pipeline_mode<synchronous>, transform_indices = @transform_2, window_bounds = array<i64: 1, 128>}, {transform_indices = @transform_3, window_bounds = array<i64: 2000, 128>}]} {
    %get3A = arith.constant 0 : index
    %get3A_0 = arith.constant 0 : index
    %get3A_1 = vector.load %arg1[%get3A, %get3A_0] : memref<2000x128xf32, #tpu.memory_space<vmem>>, vector<2000x128xf32>
    %convert_element_type3A = arith.truncf %get3A_1 : vector<2000x128xf32> to vector<2000x128xbf16>
    %get3A_2 = arith.constant 0 : index
    %get3A_3 = arith.constant 0 : index
    %get3A_4 = vector.load %arg2[%get3A_2, %get3A_3] : memref<128x128xf32, #tpu.memory_space<vmem>>, vector<128x128xf32>
    %convert_element_type3A_5 = arith.truncf %get3A_4 : vector<128x128xf32> to vector<128x128xbf16>
    %dot_general3A = arith.constant dense<0.000000e+00> : vector<2000x128xf32>
    %dot_general3A_6 = tpu.matmul %convert_element_type3A, %convert_element_type3A_5, %dot_general3A {dimension_numbers = #tpu.dot_dimension_numbers<[1], [0], [0], [1], [0, 0, 1, 1], [], []>, transpose_lhs_hint = false} : vector<2000x128xbf16>, vector<128x128xbf16>, vector<2000x128xf32> -> vector<2000x128xf32>
    %get3A_7 = arith.constant 0 : index
    %get3A_8 = arith.constant 0 : index
    %get3A_9 = vector.load %arg3[%get3A_7, %get3A_8] : memref<1x128xf32, #tpu.memory_space<vmem>>, vector<1x128xf32>
    %add3A = vector.broadcast %get3A_9 : vector<1x128xf32> to vector<2000x128xf32>
    %add3A_10 = arith.addf %dot_general3A_6, %add3A : vector<2000x128xf32>
    %max3A = arith.constant 0.000000e+00 : f32
    %max3A_11 = vector.broadcast %max3A : f32 to vector<2000x128xf32>
    %max3A_12 = arith.maximumf %add3A_10, %max3A_11 : vector<2000x128xf32>
    %abs3A = math.absf %add3A_10 : vector<2000x128xf32>
    %neg3A = arith.constant 0.000000e+00 : f32
    %neg3A_13 = vector.broadcast %neg3A : f32 to vector<2000x128xf32>
    %neg3A_14 = arith.subf %neg3A_13, %abs3A : vector<2000x128xf32>
    %exp3A = math.exp %neg3A_14 : vector<2000x128xf32>
    %log1p3A = math.log1p %exp3A : vector<2000x128xf32>
    %add3A_15 = arith.addf %max3A_12, %log1p3A : vector<2000x128xf32>
    %tanh3A = math.tanh %add3A_15 : vector<2000x128xf32>
    %mul3A = arith.mulf %add3A_10, %tanh3A : vector<2000x128xf32>
    %swap3A = arith.constant 0 : index
    %swap3A_16 = arith.constant 0 : index
    %swap3A_17 = vector.load %arg4[%swap3A, %swap3A_16] : memref<2000x128xf32, #tpu.memory_space<vmem>>, vector<2000x128xf32>
    tpu.vector_store %arg4[%swap3A, %swap3A_16], %mul3A {strides = array<i32>} : memref<2000x128xf32, #tpu.memory_space<vmem>>, vector<2000x128xf32>,
    return
  }
  func.func @transform_0(%arg0: i32) -> (i32, i32) {
    %c0_i32 = arith.constant 0 : i32
    %c0_i32_0 = arith.constant 0 : i32
    return %arg0, %c0_i32 : i32, i32
  }
  func.func @transform_1(%arg0: i32) -> (i32, i32) {
    %c0_i32 = arith.constant 0 : i32
    %c0_i32_0 = arith.constant 0 : i32
    %c0_i32_1 = arith.constant 0 : i32
    return %c0_i32, %c0_i32_0 : i32, i32
  }
  func.func @transform_2(%arg0: i32) -> (i32, i32) {
    %c0_i32 = arith.constant 0 : i32
    %c0_i32_0 = arith.constant 0 : i32
    %c0_i32_1 = arith.constant 0 : i32
    return %c0_i32, %c0_i32_0 : i32, i32
  }
  func.func @transform_3(%arg0: i32) -> (i32, i32) {
    %c0_i32 = arith.constant 0 : i32
    %c0_i32_0 = arith.constant 0 : i32
    return %arg0, %c0_i32 : i32, i32
  }
}

module attributes {stable_mosaic.version = 14 : i64} {
  func.func @_proj_body(%arg0: i32, %arg1: memref<2000x128xf32, #tpu.memory_space<vmem>>, %arg2: memref<2000x128xf32, #tpu.memory_space<vmem>>, %arg3: memref<128x128xf32, #tpu.memory_space<vmem>>, %arg4: memref<1x128xf32, #tpu.memory_space<vmem>>, %arg5: memref<2000x128xf32, #tpu.memory_space<vmem>>) attributes {dimension_semantics = [#tpu.dimension_semantics<arbitrary>], iteration_bounds = array<i64: 5>, scalar_prefetch = 0 : i64, scratch_operands = 0 : i64, tpu.core_type = #tpu.core_type<tc>, window_params = [{transform_indices = @transform_0, window_bounds = array<i64: 2000, 128>}, {transform_indices = @transform_1, window_bounds = array<i64: 2000, 128>}, {pipeline_mode = #tpu.pipeline_mode<synchronous>, transform_indices = @transform_2, window_bounds = array<i64: 128, 128>}, {pipeline_mode = #tpu.pipeline_mode<synchronous>, transform_indices = @transform_3, window_bounds = array<i64: 1, 128>}, {transform_indices = @transform_4, window_bounds = array<i64: 2000, 128>}]} {
    %get3A = arith.constant 0 : index
    %get3A_0 = arith.constant 0 : index
    %get3A_1 = vector.load %arg1[%get3A, %get3A_0] : memref<2000x128xf32, #tpu.memory_space<vmem>>, vector<2000x128xf32>
    %get3A_2 = arith.constant 0 : index
    %get3A_3 = arith.constant 0 : index
    %get3A_4 = vector.load %arg2[%get3A_2, %get3A_3] : memref<2000x128xf32, #tpu.memory_space<vmem>>, vector<2000x128xf32>
    %add3A = arith.addf %get3A_1, %get3A_4 : vector<2000x128xf32>
    %convert_element_type3A = arith.truncf %add3A : vector<2000x128xf32> to vector<2000x128xbf16>
    %get3A_5 = arith.constant 0 : index
    %get3A_6 = arith.constant 0 : index
    %get3A_7 = vector.load %arg3[%get3A_5, %get3A_6] : memref<128x128xf32, #tpu.memory_space<vmem>>, vector<128x128xf32>
    %convert_element_type3A_8 = arith.truncf %get3A_7 : vector<128x128xf32> to vector<128x128xbf16>
    %dot_general3A = arith.constant dense<0.000000e+00> : vector<2000x128xf32>
    %dot_general3A_9 = tpu.matmul %convert_element_type3A, %convert_element_type3A_8, %dot_general3A {dimension_numbers = #tpu.dot_dimension_numbers<[1], [0], [0], [1], [0, 0, 1, 1], [], []>, transpose_lhs_hint = false} : vector<2000x128xbf16>, vector<128x128xbf16>, vector<2000x128xf32> -> vector<2000x128xf32>
    %get3A_10 = arith.constant 0 : index
    %get3A_11 = arith.constant 0 : index
    %get3A_12 = vector.load %arg4[%get3A_10, %get3A_11] : memref<1x128xf32, #tpu.memory_space<vmem>>, vector<1x128xf32>
    %add3A_13 = vector.broadcast %get3A_12 : vector<1x128xf32> to vector<2000x128xf32>
    %add3A_14 = arith.addf %dot_general3A_9, %add3A_13 : vector<2000x128xf32>
    %max3A = arith.constant 0.000000e+00 : f32
    %max3A_15 = vector.broadcast %max3A : f32 to vector<2000x128xf32>
    %max3A_16 = arith.maximumf %add3A_14, %max3A_15 : vector<2000x128xf32>
    %abs3A = math.absf %add3A_14 : vector<2000x128xf32>
    %neg3A = arith.constant 0.000000e+00 : f32
    %neg3A_17 = vector.broadcast %neg3A : f32 to vector<2000x128xf32>
    %neg3A_18 = arith.subf %neg3A_17, %abs3A : vector<2000x128xf32>
    %exp3A = math.exp %neg3A_18 : vector<2000x128xf32>
    %log1p3A = math.log1p %exp3A : vector<2000x128xf32>
    %add3A_19 = arith.addf %max3A_16, %log1p3A : vector<2000x128xf32>
    %tanh3A = math.tanh %add3A_19 : vector<2000x128xf32>
    %mul3A = arith.mulf %add3A_14, %tanh3A : vector<2000x128xf32>
    %swap3A = arith.constant 0 : index
    %swap3A_20 = arith.constant 0 : index
    %swap3A_21 = vector.load %arg5[%swap3A, %swap3A_20] : memref<2000x128xf32, #tpu.memory_space<vmem>>, vector<2000x128xf32>
    tpu.vector_store %arg5[%swap3A, %swap3A_20], %mul3A {strides = array<i32>} : memref<2000x128xf32, #tpu.memory_space<vmem>>, vector<2000x128xf32>,
    return
  }
  func.func @transform_0(%arg0: i32) -> (i32, i32) {
    %c0_i32 = arith.constant 0 : i32
    %c0_i32_0 = arith.constant 0 : i32
    return %arg0, %c0_i32 : i32, i32
  }
  func.func @transform_1(%arg0: i32) -> (i32, i32) {
    %c0_i32 = arith.constant 0 : i32
    %c0_i32_0 = arith.constant 0 : i32
    return %arg0, %c0_i32 : i32, i32
  }
  func.func @transform_2(%arg0: i32) -> (i32, i32) {
    %c0_i32 = arith.constant 0 : i32
    %c0_i32_0 = arith.constant 0 : i32
    %c0_i32_1 = arith.constant 0 : i32
    return %c0_i32, %c0_i32_0 : i32, i32
  }
  func.func @transform_3(%arg0: i32) -> (i32, i32) {
    %c0_i32 = arith.constant 0 : i32
    %c0_i32_0 = arith.constant 0 : i32
    %c0_i32_1 = arith.constant 0 : i32
    return %c0_i32, %c0_i32_0 : i32, i32
  }
  func.func @transform_4(%arg0: i32) -> (i32, i32) {
    %c0_i32 = arith.constant 0 : i32
    %c0_i32_0 = arith.constant 0 : i32
    return %arg0, %c0_i32 : i32, i32
  }
}

module attributes {stable_mosaic.version = 14 : i64} {
  func.func @_pool_body(%arg0: i32, %arg1: memref<1x1x1000xi32, #tpu.memory_space<vmem>>, %arg2: memref<1000x128xf32, #tpu.memory_space<vmem>>, %arg3: memref<1x128xf32, #tpu.memory_space<vmem>>, %arg4: memref<1x128xf32, #tpu.memory_space<vmem>>, %arg5: memref<128x1xf32, #tpu.memory_space<vmem>>, %arg6: memref<1x1xf32, #tpu.memory_space<vmem>>, %arg7: memref<256x1xf32, #tpu.memory_space<vmem>>, %arg8: memref<256x128xf32, #tpu.memory_space<vmem>>, %arg9: memref<256x1xf32, #tpu.memory_space<vmem>>) attributes {dimension_semantics = [#tpu.dimension_semantics<arbitrary>], iteration_bounds = array<i64: 10>, scalar_prefetch = 0 : i64, scratch_operands = 2 : i64, tpu.core_type = #tpu.core_type<tc>, window_params = [{transform_indices = @transform_0, window_bounds = array<i64: 1, 1, 1000>}, {transform_indices = @transform_1, window_bounds = array<i64: 1000, 128>}, {pipeline_mode = #tpu.pipeline_mode<synchronous>, transform_indices = @transform_2, window_bounds = array<i64: 1, 128>}, {pipeline_mode = #tpu.pipeline_mode<synchronous>, transform_indices = @transform_3, window_bounds = array<i64: 1, 128>}, {pipeline_mode = #tpu.pipeline_mode<synchronous>, transform_indices = @transform_4, window_bounds = array<i64: 128, 1>}, {pipeline_mode = #tpu.pipeline_mode<synchronous>, transform_indices = @transform_5, window_bounds = array<i64: 1, 1>}, {pipeline_mode = #tpu.pipeline_mode<synchronous>, transform_indices = @transform_6, window_bounds = array<i64: 256, 1>}]} {
    %eq3A = arith.constant 0 : i32
    %eq3A_0 = arith.cmpi eq, %arg0, %eq3A : i32
    %convert_element_type3A = arith.extui %eq3A_0 : i1 to i32
    %cond3A = arith.constant 0 : i32
    %cond3A_1 = arith.cmpi ne, %convert_element_type3A, %cond3A : i32
    scf.if %cond3A_1 {
      %broadcast_in_dim3A_31 = arith.constant 0.000000e+00 : f32
      %broadcast_in_dim3A_32 = vector.broadcast %broadcast_in_dim3A_31 : f32 to vector<256x128xf32>
      %swap3A_33 = arith.constant 0 : index
      %swap3A_34 = arith.constant 0 : index
      %swap3A_35 = vector.load %arg8[%swap3A_33, %swap3A_34] : memref<256x128xf32, #tpu.memory_space<vmem>>, vector<256x128xf32>
      tpu.vector_store %arg8[%swap3A_33, %swap3A_34], %broadcast_in_dim3A_32 {strides = array<i32>} : memref<256x128xf32, #tpu.memory_space<vmem>>, vector<256x128xf32>,
      %broadcast_in_dim3A_36 = arith.constant 0.000000e+00 : f32
      %broadcast_in_dim3A_37 = vector.broadcast %broadcast_in_dim3A_36 : f32 to vector<256x1xf32>
      %swap3A_38 = arith.constant 0 : index
      %swap3A_39 = arith.constant 0 : index
      %swap3A_40 = vector.load %arg9[%swap3A_38, %swap3A_39] : memref<256x1xf32, #tpu.memory_space<vmem>>, vector<256x1xf32>
      tpu.vector_store %arg9[%swap3A_38, %swap3A_39], %broadcast_in_dim3A_37 {strides = array<i32>} : memref<256x1xf32, #tpu.memory_space<vmem>>, vector<256x1xf32>,
    } else {
    }
    %get3A = arith.constant 0 : index
    %get3A_2 = arith.constant 0 : index
    %get3A_3 = arith.constant 0 : index
    %get3A_4 = vector.load %arg1[%get3A, %get3A_2, %get3A_3] : memref<1x1x1000xi32, #tpu.memory_space<vmem>>, vector<1x1x1000xi32>
    %reshape3A = vector.shape_cast %get3A_4 : vector<1x1x1000xi32> to vector<1x1000xi32>
    %iota3A = tpu.iota {dimensions = array<i32: 0>} : vector<256x1000xi32>
    %eq3A_5 = vector.broadcast %reshape3A : vector<1x1000xi32> to vector<256x1000xi32>
    %eq3A_6 = arith.cmpi eq, %iota3A, %eq3A_5 : vector<256x1000xi32>
    %convert_element_type3A_7 = arith.extui %eq3A_6 : vector<256x1000xi1> to vector<256x1000xi32>
    %convert_element_type3A_8 = arith.sitofp %convert_element_type3A_7 : vector<256x1000xi32> to vector<256x1000xf32>
    %get3A_9 = arith.constant 0 : index
    %get3A_10 = arith.constant 0 : index
    %get3A_11 = vector.load %arg8[%get3A_9, %get3A_10] : memref<256x128xf32, #tpu.memory_space<vmem>>, vector<256x128xf32>
    %get3A_12 = arith.constant 0 : index
    %get3A_13 = arith.constant 0 : index
    %get3A_14 = vector.load %arg2[%get3A_12, %get3A_13] : memref<1000x128xf32, #tpu.memory_space<vmem>>, vector<1000x128xf32>
    %dot_general3A = arith.constant dense<0.000000e+00> : vector<256x128xf32>
    %dot_general3A_15 = tpu.matmul %convert_element_type3A_8, %get3A_14, %dot_general3A {dimension_numbers = #tpu.dot_dimension_numbers<[1], [0], [0], [1], [0, 0, 1, 1], [], []>, precision = #tpu.contract_precision<fp32>, transpose_lhs_hint = false} : vector<256x1000xf32>, vector<1000x128xf32>, vector<256x128xf32> -> vector<256x128xf32>
    %add3A = arith.addf %get3A_11, %dot_general3A_15 : vector<256x128xf32>
    %swap3A = arith.constant 0 : index
    %swap3A_16 = arith.constant 0 : index
    %swap3A_17 = vector.load %arg8[%swap3A, %swap3A_16] : memref<256x128xf32, #tpu.memory_space<vmem>>, vector<256x128xf32>
    tpu.vector_store %arg8[%swap3A, %swap3A_16], %add3A {strides = array<i32>} : memref<256x128xf32, #tpu.memory_space<vmem>>, vector<256x128xf32>,
    %get3A_18 = arith.constant 0 : index
    %get3A_19 = arith.constant 0 : index
    %get3A_20 = vector.load %arg9[%get3A_18, %get3A_19] : memref<256x1xf32, #tpu.memory_space<vmem>>, vector<256x1xf32>
    %reduce_sum3A = arith.constant dense<0.000000e+00> : vector<256xf32>
    %reduce_sum3A_21 = vector.multi_reduction <add>, %convert_element_type3A_8, %reduce_sum3A [1] : vector<256x1000xf32> to vector<256xf32>
    %broadcast_in_dim3A = vector.shape_cast %reduce_sum3A_21 : vector<256xf32> to vector<256x1xf32>
    %add3A_22 = arith.addf %get3A_20, %broadcast_in_dim3A : vector<256x1xf32>
    %swap3A_23 = arith.constant 0 : index
    %swap3A_24 = arith.constant 0 : index
    %swap3A_25 = vector.load %arg9[%swap3A_23, %swap3A_24] : memref<256x1xf32, #tpu.memory_space<vmem>>, vector<256x1xf32>
    tpu.vector_store %arg9[%swap3A_23, %swap3A_24], %add3A_22 {strides = array<i32>} : memref<256x1xf32, #tpu.memory_space<vmem>>, vector<256x1xf32>,
    %eq3A_26 = arith.constant 9 : i32
    %eq3A_27 = arith.cmpi eq, %arg0, %eq3A_26 : i32
    %convert_element_type3A_28 = arith.extui %eq3A_27 : i1 to i32
    %cond3A_29 = arith.constant 0 : i32
    %cond3A_30 = arith.cmpi ne, %convert_element_type3A_28, %cond3A_29 : i32
    scf.if %cond3A_30 {
      %get3A_31 = arith.constant 0 : index
      %get3A_32 = arith.constant 0 : index
      %get3A_33 = vector.load %arg8[%get3A_31, %get3A_32] : memref<256x128xf32, #tpu.memory_space<vmem>>, vector<256x128xf32>
      %get3A_34 = arith.constant 0 : index
      %get3A_35 = arith.constant 0 : index
      %get3A_36 = vector.load %arg9[%get3A_34, %get3A_35] : memref<256x1xf32, #tpu.memory_space<vmem>>, vector<256x1xf32>
      %max3A = arith.constant 1.000000e+00 : f32
      %max3A_37 = vector.broadcast %max3A : f32 to vector<256x1xf32>
      %max3A_38 = arith.maximumf %get3A_36, %max3A_37 : vector<256x1xf32>
      %div3A = vector.broadcast %max3A_38 : vector<256x1xf32> to vector<256x128xf32>
      %div3A_39 = arith.divf %get3A_33, %div3A : vector<256x128xf32>
      %reduce_sum3A_40 = arith.constant dense<0.000000e+00> : vector<128xf32>
      %reduce_sum3A_41 = vector.multi_reduction <add>, %div3A_39, %reduce_sum3A_40 [0] : vector<256x128xf32> to vector<128xf32>
      %broadcast_in_dim3A_42 = vector.shape_cast %reduce_sum3A_41 : vector<128xf32> to vector<1x128xf32>
      %div3A_43 = arith.constant 2.560000e+02 : f32
      %div3A_44 = vector.broadcast %div3A_43 : f32 to vector<1x128xf32>
      %div3A_45 = arith.divf %broadcast_in_dim3A_42, %div3A_44 : vector<1x128xf32>
      %sub3A = vector.broadcast %div3A_45 : vector<1x128xf32> to vector<256x128xf32>
      %sub3A_46 = arith.subf %div3A_39, %sub3A : vector<256x128xf32>
      %integer_pow3A = arith.mulf %sub3A_46, %sub3A_46 : vector<256x128xf32>
      %reduce_sum3A_47 = arith.constant dense<0.000000e+00> : vector<128xf32>
      %reduce_sum3A_48 = vector.multi_reduction <add>, %integer_pow3A, %reduce_sum3A_47 [0] : vector<256x128xf32> to vector<128xf32>
      %broadcast_in_dim3A_49 = vector.shape_cast %reduce_sum3A_48 : vector<128xf32> to vector<1x128xf32>
      %div3A_50 = arith.constant 2.560000e+02 : f32
      %div3A_51 = vector.broadcast %div3A_50 : f32 to vector<1x128xf32>
      %div3A_52 = arith.divf %broadcast_in_dim3A_49, %div3A_51 : vector<1x128xf32>
      %sub3A_53 = vector.broadcast %div3A_45 : vector<1x128xf32> to vector<256x128xf32>
      %sub3A_54 = arith.subf %div3A_39, %sub3A_53 : vector<256x128xf32>
      %add3A_55 = arith.constant 9.99999974E-6 : f32
      %add3A_56 = vector.broadcast %add3A_55 : f32 to vector<1x128xf32>
      %add3A_57 = arith.addf %div3A_52, %add3A_56 : vector<1x128xf32>
      %rsqrt3A = math.rsqrt %add3A_57 : vector<1x128xf32>
      %mul3A = vector.broadcast %rsqrt3A : vector<1x128xf32> to vector<256x128xf32>
      %mul3A_58 = arith.mulf %sub3A_54, %mul3A : vector<256x128xf32>
      %get3A_59 = arith.constant 0 : index
      %get3A_60 = arith.constant 0 : index
      %get3A_61 = vector.load %arg3[%get3A_59, %get3A_60] : memref<1x128xf32, #tpu.memory_space<vmem>>, vector<1x128xf32>
      %mul3A_62 = vector.broadcast %get3A_61 : vector<1x128xf32> to vector<256x128xf32>
      %mul3A_63 = arith.mulf %mul3A_58, %mul3A_62 : vector<256x128xf32>
      %get3A_64 = arith.constant 0 : index
      %get3A_65 = arith.constant 0 : index
      %get3A_66 = vector.load %arg4[%get3A_64, %get3A_65] : memref<1x128xf32, #tpu.memory_space<vmem>>, vector<1x128xf32>
      %add3A_67 = vector.broadcast %get3A_66 : vector<1x128xf32> to vector<256x128xf32>
      %add3A_68 = arith.addf %mul3A_63, %add3A_67 : vector<256x128xf32>
      %convert_element_type3A_69 = arith.truncf %add3A_68 : vector<256x128xf32> to vector<256x128xbf16>
      %get3A_70 = arith.constant 0 : index
      %get3A_71 = arith.constant 0 : index
      %get3A_72 = vector.load %arg5[%get3A_70, %get3A_71] : memref<128x1xf32, #tpu.memory_space<vmem>>, vector<128x1xf32>
      %convert_element_type3A_73 = arith.truncf %get3A_72 : vector<128x1xf32> to vector<128x1xbf16>
      %dot_general3A_74 = arith.constant dense<0.000000e+00> : vector<256x1xf32>
      %dot_general3A_75 = tpu.matmul %convert_element_type3A_69, %convert_element_type3A_73, %dot_general3A_74 {dimension_numbers = #tpu.dot_dimension_numbers<[1], [0], [0], [1], [0, 0, 1, 1], [], []>, transpose_lhs_hint = false} : vector<256x128xbf16>, vector<128x1xbf16>, vector<256x1xf32> -> vector<256x1xf32>
      %get3A_76 = arith.constant 0 : index
      %get3A_77 = arith.constant 0 : index
      %get3A_78 = vector.load %arg6[%get3A_76, %get3A_77] : memref<1x1xf32, #tpu.memory_space<vmem>>, vector<1x1xf32>
      %add3A_79 = vector.broadcast %get3A_78 : vector<1x1xf32> to vector<256x1xf32>
      %add3A_80 = arith.addf %dot_general3A_75, %add3A_79 : vector<256x1xf32>
      %swap3A_81 = arith.constant 0 : index
      %swap3A_82 = arith.constant 0 : index
      %swap3A_83 = vector.load %arg7[%swap3A_81, %swap3A_82] : memref<256x1xf32, #tpu.memory_space<vmem>>, vector<256x1xf32>
      tpu.vector_store %arg7[%swap3A_81, %swap3A_82], %add3A_80 {strides = array<i32>} : memref<256x1xf32, #tpu.memory_space<vmem>>, vector<256x1xf32>,
    } else {
    }
    return
  }
  func.func @transform_0(%arg0: i32) -> (i32, i32, i32) {
    %c0_i32 = arith.constant 0 : i32
    %c0_i32_0 = arith.constant 0 : i32
    %c0_i32_1 = arith.constant 0 : i32
    return %arg0, %c0_i32, %c0_i32_0 : i32, i32, i32
  }
  func.func @transform_1(%arg0: i32) -> (i32, i32) {
    %c0_i32 = arith.constant 0 : i32
    %c0_i32_0 = arith.constant 0 : i32
    return %arg0, %c0_i32 : i32, i32
  }
  func.func @transform_2(%arg0: i32) -> (i32, i32) {
    %c0_i32 = arith.constant 0 : i32
    %c0_i32_0 = arith.constant 0 : i32
    %c0_i32_1 = arith.constant 0 : i32
    return %c0_i32, %c0_i32_0 : i32, i32
  }
  func.func @transform_3(%arg0: i32) -> (i32, i32) {
    %c0_i32 = arith.constant 0 : i32
    %c0_i32_0 = arith.constant 0 : i32
    %c0_i32_1 = arith.constant 0 : i32
    return %c0_i32, %c0_i32_0 : i32, i32
  }
  func.func @transform_4(%arg0: i32) -> (i32, i32) {
    %c0_i32 = arith.constant 0 : i32
    %c0_i32_0 = arith.constant 0 : i32
    %c0_i32_1 = arith.constant 0 : i32
    return %c0_i32, %c0_i32_0 : i32, i32
  }
  func.func @transform_5(%arg0: i32) -> (i32, i32) {
    %c0_i32 = arith.constant 0 : i32
    %c0_i32_0 = arith.constant 0 : i32
    %c0_i32_1 = arith.constant 0 : i32
    return %c0_i32, %c0_i32_0 : i32, i32
  }
  func.func @transform_6(%arg0: i32) -> (i32, i32) {
    %c0_i32 = arith.constant 0 : i32
    %c0_i32_0 = arith.constant 0 : i32
    %c0_i32_1 = arith.constant 0 : i32
    return %c0_i32, %c0_i32_0 : i32, i32
  }
}

</mosaic_0001>

<sc_bundles>
// kernel: kernel.11.cloned.1.call-start
scs
__scs_entry_jumppad:
0x0: {  	(pc) =	sbr.rel $0x88, $3  }
0x1: {  	(tag) =	ssettag $0x0;
	lr =	simm.s32 $0x1  }
0x2: {  	[smem:$0x3F8D] =	sst lr;
	_ =	strace $0xD0000000  }
0x3: {  	_ = 	snop  }
0x4: {  	_ = 	snop  }
0x5: {  	_ = 	snop  }
0x6: {  	_ = 	snop  }
0x7: {  	_ = 	snop  }
__scs_overlays_trampoline_lowered:
0x8: {  	[smem:$0x3F9C] =	sst s0  }
0x9: {  	[smem:$0x3F9D] =	sst s1  }
0xa: {  	[smem:$0x3F9E] =	sst s2  }
0xb: {  	[smem:$0x3F9F] =	sst s3  }
0xc: {  	[smem:$0x3FA0] =	sst s4  }
0xd: {  	[smem:$0x3FA1] =	sst s5  }
0xe: {  	[smem:$0x3FA2] =	sst s6  }
0xf: {  	[smem:$0x3FA3] =	sst s7  }
0x10: {  	[smem:$0x3FA4] =	sst s8  }
0x11: {  	[smem:$0x3FA5] =	sst s9;
	s0 =	simm.s32 @!p0 $0x0  }
0x12: {  	s1 =	sld [smem:$0x3F8B];
	s0 =	simm.s32 @p0 $0x1  }
0x13: {  	[smem:$0x3FA6] =	sst s0;
	s0 =	simm.s32 @!p1 $0x0  }
0x14: {  	s2 =	sld [smem:$0x3F8A];
	s0 =	simm.s32 @p1 $0x1  }
0x15: {  	[smem:$0x3FA7] =	sst s0;
	s0 =	simm.s32 @!p2 $0x0  }
0x16: {  	s3 =	sld [smem:$0x3FDB];
	s0 =	simm.s32 @p2 $0x1  }
0x17: {  	s4 =	simm.s32 $0x1BF5;
	[smem:$0x3FA9] =	sst s0  }
0x18: {  	s0 =	sld [smem:$0x3F8C];
	_ =	swait.ge [sflag:s4], $0x0  }
0x19: {  	s7 =	sld [smem:$0x3F8D]  }
0x1a: {  	s8 =	sadd.s32 $0xFFFFE003, lr  }
0x1b: {  	s9 =	sadd.s32 $0xFFFFFEF7, lr;
	s5 =	simm.s32 $0xFFFFFFFF;
	p2 =	slt.u32 s8, $0xFFFFF086  }
0x1c: {  	p1 =	slt.u32 s9, $0xF7A;
	s5 =	simm.s32 @!p2 $0x0  }
0x1d: {  	s5 =	simm.s32 @p1 $0x1;
	p0 =	seq.s32 s7, s2  }
0x1e: {  	s7 =	smul.u32 @!p0 $0xF7A, s2;
	p2 =	seq.s32 @!p0 s5, $0x0  }
0x1f: {  	s9 =	smul.u32 $0xF7A, s1;
	s8 =	simm.s32 @!p0 $0x1BF5;
	p2 =	por !p2, p0  }
0x20: {  	[sflag:s8] =	ssyncset.s32 @!p0 $0xFFFFF086;
	s6 =	sadd.s32 @!p0 s3, s7;
	s7 =	simm.s32 @!p0 $0x108  }
0x21: {  	s3 =	sadd.s32 s3, s9;
	s6 =	sadd.s32 @!p0 $0x88, s6;
	s7 =	simm.s32 @p2 $0x1082  }
0x22: {  	[simem:s7], [sflag:s8] =	dma.local @!p0 [hbm:s6], $0xF7A  }
0x23: {  	s9 =	sor.u32 $0xD0000000, s2;
	s6 =	simm.s32 $0x108;
	_ =	swait.ge @!p0 [sflag:s8], $0x0  }
0x24: {  	s3 =	sadd.s32 $0x88, s3;
	s6 =	simm.s32 @!p1 $0x1082;
	[sflag:s4] =	ssyncset.s32 $0xFFFFF086  }
0x25: {  	[simem:s6], [sflag:s4] =	dma.local [hbm:s3], $0xF7A  }
0x26: {  	[smem:$0x3F8D] =	sst s1;
	(tag) =	ssettag s2;
	_ =	strace s9  }
0x27: {  	s1 =	sld [smem:$0x3F9D]  }
0x28: {  	s2 =	sld [smem:$0x3F9E]  }
0x29: {  	s4 =	sld [smem:$0x3FA0]  }
0x2a: {  	p0 =	seq.s32 s5, $0x0;
	s5 =	sld [smem:$0x3FA1]  }
0x2b: {  	s6 =	sld [smem:$0x3FA2]  }
0x2c: {  	s7 =	sld [smem:$0x3FA3]  }
0x2d: {  	s3 =	simm.s32 $0x108;
	s8 =	sld [smem:$0x3FA4]  }
0x2e: {  	s3 =	simm.s32 @!p0 $0x1082;
	s9 =	sld [smem:$0x3FA5]  }
0x2f: {  	lr =	sadd.s32 s0, s3;
	s0 =	sld [smem:$0x3F9C]  }
0x30: {  	s3 =	sld [smem:$0x3F9F]  }
0x31: {  	[smem:$0x3FA8] =	sst s10  }
0x32: {  	s10 =	sld [smem:$0x3FA6];
	_ =	sdelay $0x3  }
0x33: {  	p0 =	seq.s32 s10, $0x1;
	s10 =	sld [smem:$0x3FA8];
	_ =	sdelay $0x3  }
0x34: {  	[smem:$0x3FA8] =	sst s10  }
0x35: {  	s10 =	sld [smem:$0x3FA7];
	_ =	sdelay $0x3  }
0x36: {  	p1 =	seq.s32 s10, $0x1;
	s10 =	sld [smem:$0x3FA8];
	_ =	sdelay $0x3  }
0x37: {  	[smem:$0x3FA8] =	sst s10  }
0x38: {  	s10 =	sld [smem:$0x3FA9]  }
0x39: {  	_ = 	snop;
	(pc) =	sbr.ind lr, $3  }
0x3a: {  	_ = 	snop  }
0x3b: {  	_ = 	snop  }
0x3c: {  	p2 =	seq.s32 s10, $0x1;
	s10 =	sld [smem:$0x3FA8]  }
0x3d: {  	_ =	shalt  }
0x3e: {  	_ =	shalt  }
0x3f: {  	_ =	shalt  }
0x40: {  	_ =	shalt  }
0x41: {  	_ =	shalt  }
0x42: {  	_ =	shalt  }
0x43: {  	_ =	shalt  }
0x44: {  	_ =	shalt  }
0x45: {  	_ =	shalt  }
0x46: {  	_ =	shalt  }
0x47: {  	_ =	shalt  }
0x48: {  	_ =	shalt  }
0x49: {  	_ =	shalt  }
0x4a: {  	_ =	shalt  }
0x4b: {  	_ =	shalt  }
0x4c: {  	_ =	shalt  }
0x4d: {  	_ =	shalt  }
0x4e: {  	_ =	shalt  }
0x4f: {  	_ =	shalt  }
0x50: {  	_ =	shalt  }
0x51: {  	_ =	shalt  }
0x52: {  	_ =	shalt  }
0x53: {  	_ =	shalt  }
0x54: {  	_ =	shalt  }
0x55: {  	_ =	shalt  }
0x56: {  	_ =	shalt  }
0x57: {  	_ =	shalt  }
0x58: {  	_ =	shalt  }
0x59: {  	_ =	shalt  }
0x5a: {  	_ =	shalt  }
0x5b: {  	_ =	shalt  }
0x5c: {  	_ =	shalt  }
0x5d: {  	_ =	shalt  }
0x5e: {  	_ =	shalt  }
0x5f: {  	_ =	shalt  }
0x60: {  	_ =	shalt  }
0x61: {  	_ =	shalt  }
0x62: {  	_ =	shalt  }
0x63: {  	_ =	shalt  }
0x64: {  	_ =	shalt  }
0x65: {  	_ =	shalt  }
0x66: {  	_ =	shalt  }
0x67: {  	_ =	shalt  }
0x68: {  	_ =	shalt  }
0x69: {  	_ =	shalt  }
0x6a: {  	_ =	shalt  }
0x6b: {  	_ =	shalt  }
0x6c: {  	_ =	shalt  }
0x6d: {  	_ =	shalt  }
0x6e: {  	_ =	shalt  }
0x6f: {  	_ =	shalt  }
0x70: {  	_ =	shalt  }
0x71: {  	_ =	shalt  }
0x72: {  	_ =	shalt  }
0x73: {  	_ =	shalt  }
0x74: {  	_ =	shalt  }
0x75: {  	_ =	shalt  }
0x76: {  	_ =	shalt  }
0x77: {  	_ =	shalt  }
0x78: {  	_ =	shalt  }
0x79: {  	_ =	shalt  }
0x7a: {  	_ =	shalt  }
0x7b: {  	_ =	shalt  }
0x7c: {  	_ =	shalt  }
0x7d: {  	_ =	shalt  }
0x7e: {  	_ =	shalt  }
0x7f: {  	_ =	shalt  }
0x80: {  	_ =	shalt  }
0x81: {  	_ =	shalt  }
0x82: {  	_ =	shalt  }
0x83: {  	_ =	shalt  }
0x84: {  	_ =	shalt  }
0x85: {  	_ =	shalt  }
0x86: {  	_ =	shalt  }
0x87: {  	_ =	shalt  }
.Lfunc_end0:
.L_simem_size_0:
called_computation_lowered:
.L_overlay_start_0:
0x88: {  	s2 =	sld [smem:$0x3FD9]  }
0x89: {  	s3 =	sld [smem:$0x3FFE];
	_ =	sdelay $0x1  }
0x8a: {  	s1 =	srdreg.scid  }
0x8b: {  	s0 =	sand.u32 $0x1, s1  }
0x8c: {  	s16 =	sshll.u32 s0, $0xA;
	s2 =	sadd.s32 s3, s2  }
0x8d: {  	s2 =	sadd.s32 s2, s16  }
0x8e: {  	[smem:$0x3FB4] =	sst s2  }
0x8f: {  	_ = 	snop  }
0x90: {  	(tm) =	ssettm $0x1  }
0x91: {  	s17 =	sld [smem:$0x3FFB];
	_ =	sdelay $0x3  }
0x92: {  	_ =	strace s17  }
0x93: {  	s2 =	sld [smem:$0x3FFC];
	_ =	sdelay $0x3  }
0x94: {  	_ =	strace s2  }
0x95: {  	s2 =	sld [smem:$0x3FFD];
	_ =	sdelay $0x3  }
0x96: {  	_ =	strace s2  }
0x97: {  	_ =	strace $0x8FFFFFFF  }
0x98: {  	s18 =	sld [smem:$0x3FDB];
	_ =	sdelay $0x1  }
0x99: {  	s19 =	simm.s32 $_scs_section_size  }
0x9a: {  	s4 =	simm.s32 $_size__tile_overlayer_lowered;
	s5 =	simm.s32 $_tile_overlayer_lowered  }
0x9b: {  	s22 =	simm.s32 $0x1BFF;
	s21 =	sshll.u32 s5, $0x1;
	s2 =	sadd.s32 s19, s18  }
0x9c: {  	s6 =	simm.s32 $0x0;
	s20 =	sshll.u32 s4, $0x1;
	s4 =	sadd.s32 s21, s2  }
0x9d: {  	[timem:s6], [sflag:s22] =	dma.local [hbm:s4], s20  }
0x9e: {  	_ =	swait.ge [sflag:s22], s20  }
0x9f: {  	s3 =	ssub.s32 $0x0, s20;
	[sflag:s22] =	ssyncset.done $0x0  }
0xa0: {  	[sflag:s22] =	ssyncadd.s32 s3;
	_ =	sdelay $0x1  }
0xa1: {  	s23 =	simm.s32 $0x1B8B  }
0xa2: {  	_ =	swait.ge [sflag:s23], $0x1  }
0xa3: {  	[sflag:s23] =	ssyncset.done $0x0  }
0xa4: {  	s25 =	simm.s32 $0x1B8E;
	s24 =	sld [smem:$0x3FFE];
	[sflag:s23] =	ssyncadd.s32 $0xFFFFFFFF  }
0xa5: {  	s26 =	simm.s32 $execute0_lowered;
	[smem:$0x3FD2] =	sst s25  }
0xa6: {  	s4 =	sshll.u32 s26, $0x1;
	_ =	strace $0x80000046;
	[dreg:$0x1] =	wrdreg $0xFFFFFFFF  }
0xa7: {  	s28 =	simm.s32 $_size_execute0_lowered;
	s2 =	sadd.s32 s2, s4;
	[dreg:$0x0] =	wrdreg $0x0  }
0xa8: {  	s4 =	sshll.u32 s28, $0x1;
	[dreg:$0x2] =	wrdreg s2  }
0xa9: {  	[dreg:$0x3] =	wrdreg s4  }
0xaa: {  	[dreg:$0x4] =	wrdreg $0xC0  }
0xab: {  	_ =	task [dreg:s6], $0x5FFFF  }
0xac: {  	[dreg:$0x1] =	wrdreg $0xFFFFFFFF  }
0xad: {  	[dreg:$0x0] =	wrdreg $0x60  }
0xae: {  	[dreg:$0x2] =	wrdreg s24  }
0xaf: {  	[dreg:$0x3] =	wrdreg $0xF5800  }
0xb0: {  	[dreg:$0x4] =	wrdreg $0x9  }
0xb1: {  	_ =	task.clear_ibuf [dreg:s6], $0x5FFFF;
	_ =	strace $0x90000046  }
0xb2: {  	s29 =	simm.s32 $0x9;
	_ =	strace $0x80000048  }
0xb3: {  	_ =	swait.ge [sflag:s29], $0x1  }
0xb4: {  	[sflag:s29] =	ssyncadd.s32 $0xFFFFFFFF  }
0xb5: {  	_ =	strace $0x90000048  }
0xb6: {  	_ =	sfence  }
0xb7: {  	s30 =	sld [smem:$0x0];
	_ =	sdelay $0x2  }
0xb8: {  	s31 =	sshll.u32 s1, $0xD;
	s1 =	sshrl.u32 s1, $0x2  }
0xb9: {  	s3 =	sand.u32 $0x4000, s31;
	s1 =	sadd.s32 s1, s30  }
0xba: {  	s0 =	sor.u32 s3, s0;
	s1 =	sshll.u32 s1, $0x11  }
0xbb: {  	s0 =	sor.u32 s1, s0  }
0xbc: {  	s0 =	sadd.s32 $0x8F2B, s0  }
0xbd: {  	[sflag:s0] =	ssyncadd.remote.s32 $0x1  }
0xbe: {  	_ =	sfence.sel $0xFFFF  }
0xbf: {  	[dreg:$0x0] =	wrdreg $0xFFFFFFFF;
	(pc) =	sbr.abs _section_cstart, $3  }
0xc0: {  	[dreg:$0x1] =	wrdreg $0xFFFFFFFF  }
0xc1: {  	_ =	task.clear_ibuf [dreg:s6], $0x2FFFF;
	_ =	strace $0x9FFFFFFF  }
0xc2: {  	(tm) =	ssettm $0x7FFFFFFF  }
0xc3: {  	_ =	shalt  }
tec
execute0_lowered:
.L_overlay_start_1:
0x0: {  	(tag) =	ssettag $0x1  }
0x1: {  	s8 =	rddreg [dreg:$0x0]  }
0x2: {  	s1 =	rddreg [dreg:$0x1]  }
0x3: {  	s2 =	srdreg.scid;
	s0 =	rddreg [dreg:$0x2]  }
0x4: {  	s3 =	simm.s32 $0x0;
	s15 =	simm.s32 $0x180;
	s16 =	simm.s32 $0x50  }
0x5: {  	s17 =	simm.s32 $0x2980;
	s7 =	sand.u32 $0x1, s2;
	s2 =	stileid.u32  }
0x6: {  	s18 =	simm.s32 $0x80;
	[smem:$0x7FF] =	sst s3;
	s13 =	smul.u32 $0x1400, s7  }
0x7: {  	s4 =	sadd.s32 $0xDA00, s8;
	s5 =	sadd.s32 $0x34C00, s8;
	s9 =	smul.u32 $0x140, s2  }
0x8: {  	s6 =	sadd.s32 $0x3C00, s8;
	_ =	strace $0x80000047;
	s10 =	smul.u32 $0x29000, s2  }
0x9: {  	s11 =	ssub.s32 $0x2, s7;
	s12 =	smul.u32 $0x28000, s2;
	s19 =	sshll.u32 s2, $0x6  }
0xa: {  	s7 =	sadd.s32 $0x516C00, s8;
	s29 =	sshrl.u32 s11, $0x1;
	s19 =	sor.u32 $0x1C01, s19  }
0xb: {  	s9 =	sadd.s32 s9, s13;
	s11 =	ssub.s32 s11, s29;
	s30 =	sshrl.u32 s10, $0x2  }
0xc: {  	s31 =	sshrl.u32 s12, $0x2;
	s12 =	simm.s32 $0x5180;
	v0 =	vmov s13;
	s13 =	simm.s32 $0x1  }
0xd: {  	v6 =	vlaneseq.u32;
	s9 =	sshll.u32 s9, $0x4;
	s20 =	sadd.s32 s31, s1;
	s11 =	smax.u32 s11, $0x1  }
0xe: {  	v1 =	vimm.f32 $0.0e+00;
	v2 =	vor.u32 $0x1400, v6;
	v3 =	vor.u32 $0x1410, v6;
	s14 =	sadd.s32 s9, s8;
	s8 =	sadd.s32 s30, s1;
	s9 =	smul.u32 $0x4E20, s2  }
0xf: {  	v4 =	vor.u32 $0x1420, v6;
	v5 =	vor.u32 $0x1430, v6;
	v6 =	vor.u32 $0x1440, v6;
	s20 =	sshrl.u32 s20, $0x3;
	s10 =	sadd.s32 $0x520A00, s14;
	s14 =	simm.s32 $0x100  }
.LBB2_1:
0x10: {  	s21 =	simm.s32 $0x0;
	s22 =	simm.s32 $0x200  }
.LBB2_2:
0x11: {  	p0 =	sne.s32 s22, $0x28E00;
	[tilespmem:s21+$0x51F0] =	vst v1  }
0x12: {  	[tilespmem:s21+$0x5180] =	vst v1  }
0x13: {  	[tilespmem:s21+$0x5190] =	vst v1  }
.Ltmp0:
0x14: {  	[tilespmem:s21+$0x51A0] =	vst v1;
	(pc) =	sbr.rel @p0 .LBB2_2-.Ltmp0, $4  }
0x15: {  	[tilespmem:s21+$0x51B0] =	vst v1  }
0x16: {  	[tilespmem:s21+$0x51C0] =	vst v1  }
0x17: {  	[tilespmem:s21+$0x51D0] =	vst v1  }
0x18: {  	[tilespmem:s21+$0x51E0] =	vst v1;
	s21 =	sshra.s32 s22, $0x2;
	s22 =	sadd.s32 $0x200, s22  }
0x19: {  	[tilespmem:s21+$0x51F0] =	vst v1  }
0x1a: {  	[tilespmem:s21+$0x5180] =	vst v1  }
0x1b: {  	[tilespmem:s21+$0x5190] =	vst v1  }
0x1c: {  	[tilespmem:s21+$0x51A0] =	vst v1  }
0x1d: {  	[tilespmem:s21+$0x51B0] =	vst v1  }
0x1e: {  	[tilespmem:s21+$0x51C0] =	vst v1  }
0x1f: {  	[tilespmem:s21+$0x51D0] =	vst v1  }
0x20: {  	[tilespmem:s21+$0x51E0] =	vst v1  }
0x21: {  	[spmem:s8] =	stream.linear.scatter [tilespmem:s12], [sflag:$0x1], $0xA400, $0x38;
	[tilespmem:$0x19980] =	vst v63  }
0x22: {  	_ =	swait.ge [sflag:s13], $0xA400  }
0x23: {  	[sflag:s13] =	ssyncset.done $0x0  }
0x24: {  	[sflag:s13] =	ssyncadd.s32 $0xFFFF5C00  }
0x25: {  	s21 =	simm.s32 $0x0;
	s22 =	simm.s32 $0x0;
	[bflag:$0x0] =	sbarrier.arrive $0xFFFF  }
.LBB2_4:
0x26: {  	s23 =	smul.u32 $0x50, s22;
	_ =	sdelay $0x1  }
0x27: {  	s23 =	sadd.s32 s9, s23  }
0x28: {  	s24 =	sshrl.u32 s23, $0x3  }
0x29: {  	s25 =	sadd.s32 s6, s24  }
0x2a: {  	[tilespmem:s21], [sflag:$0x1] =	stream.linear.gather [hbm4b:s25+s21], $0x50, $0x38;
	[tilespmem:$0x19980] =	vst v63  }
0x2b: {  	_ =	swait.ge [sflag:s13], $0x50  }
0x2c: {  	[sflag:s13] =	ssyncset.done $0x0  }
0x2d: {  	s24 =	sadd.s32 s7, s24;
	[sflag:s13] =	ssyncadd.s32 $0xFFFFFFB0  }
0x2e: {  	[tilespmem:s14], [sflag:$0x1] =	stream.linear.gather [hbm4b:s24+s21], $0x50, $0x38;
	[tilespmem:$0x19980] =	vst v63  }
0x2f: {  	_ =	swait.ge [sflag:s13], $0x50  }
0x30: {  	s23 =	sshll.u32 s23, $0x4;
	[sflag:s13] =	ssyncset.done $0x0  }
0x31: {  	s23 =	sadd.s32 s5, s23;
	[sflag:s13] =	ssyncadd.s32 $0xFFFFFFB0  }
0x32: {  	[tilespmem:s15], [sflag:$0x1] =	stream.linear.gather [hbm4b:s23+s21], $0x2800, $0x38;
	[tilespmem:$0x19980] =	vst v63  }
0x33: {  	_ =	swait.ge [sflag:s13], $0x2800  }
0x34: {  	[sflag:s13] =	ssyncset.done $0x0  }
0x35: {  	[sflag:s13] =	ssyncadd.s32 $0xFFFFD800  }
0x36: {  	[tilespmem:s17], [sflag:$0x1] =	stream.indirect.gather [hbm4b:s4+s16], $0x80, s21, s16, $0xb8;
	[tilespmem:$0x19980] =	vst v63  }
0x37: {  	_ =	swait.ge [sflag:s13], $0x2800  }
0x38: {  	[sflag:s13] =	ssyncset.done $0x0  }
0x39: {  	[sflag:s13] =	ssyncadd.s32 $0xFFFFD800  }
0x3a: {  	v7 =	vld [tilespmem:$0x100]  }
0x3b: {  	v8 =	vld [tilespmem:$0x110]  }
0x3c: {  	v9 =	vld [tilespmem:$0x120]  }
0x3d: {  	v10 =	vld [tilespmem:$0x130];
	_ =	sdelay $0x2  }
0x3e: {  	v11 =	vld [tilespmem:$0x140]  }
0x3f: {  	v7 =	vshrl.u32 v7, $0x2;
	v8 =	vshrl.u32 v8, $0x2  }
0x40: {  	v9 =	vshrl.u32 v9, $0x2;
	v10 =	vshrl.u32 v10, $0x2;
	v7 =	vsub.s32 v7, v0  }
0x41: {  	v8 =	vsub.s32 v8, v0;
	v9 =	vsub.s32 v9, v0;
	vm0 =	vlt.u32 v7, $0x1400  }
0x42: {  	vm12 =	vlt.u32 v8, $0x1400;
	vm13 =	vlt.u32 v9, $0x1400;
	v7 =	vsel vm0, v7, v2  }
0x43: {  	v8 =	vsel vm12, v8, v3;
	[tilespmem:$0x80] =	vst v7;
	v7 =	vsub.s32 v10, v0;
	v10 =	vshrl.u32 v11, $0x2  }
0x44: {  	[tilespmem:$0x90] =	vst v8;
	v8 =	vsel vm13, v9, v4;
	vm14 =	vlt.u32 v7, $0x1400;
	v9 =	vsub.s32 v10, v0  }
0x45: {  	[tilespmem:$0xA0] =	vst v8;
	v7 =	vsel vm14, v7, v5;
	vm15 =	vlt.u32 v9, $0x1400  }
0x46: {  	[tilespmem:$0xB0] =	vst v7;
	v7 =	vsel vm15, v9, v6  }
0x47: {  	s23 =	simm.s32 $0x0;
	[tilespmem:$0xC0] =	vst v7  }
0x48: {  	v13 =	vld [tilespmem:s23+$0x2980]  }
0x49: {  	v18 =	vld [tilespmem:s23+$0x2990]  }
0x4a: {  	v12 =	vld [tilespmem:s23+$0x29A0]  }
0x4b: {  	v11 =	vld [tilespmem:s23+$0x29B0]  }
0x4c: {  	v10 =	vld [tilespmem:s23+$0x29C0]  }
0x4d: {  	v9 =	vld [tilespmem:s23+$0x29D0]  }
0x4e: {  	v8 =	vld [tilespmem:s23+$0x29E0]  }
0x4f: {  	v7 =	vld [tilespmem:s23+$0x29F0]  }
0x50: {  	v19 =	vld [tilespmem:s23+$0x180]  }
0x51: {  	v20 =	vld [tilespmem:s23+$0x190]  }
0x52: {  	v17 =	vld [tilespmem:s23+$0x1A0]  }
0x53: {  	v16 =	vld [tilespmem:s23+$0x1B0]  }
0x54: {  	v15 =	vld [tilespmem:s23+$0x1C0]  }
0x55: {  	v14 =	vld [tilespmem:s23+$0x1D0];
	v19 =	vadd.f32 v13, v19  }
0x56: {  	s24 =	simm.s32 $0x200;
	v18 =	vadd.f32 v18, v20;
	v13 =	vld [tilespmem:s23+$0x1E0]  }
.LBB2_5:
0x57: {  	s25 =	sshra.s32 s24, $0x2;
	p0 =	sne.s32 s24, $0x9E00;
	v19 =	vmax.f32 v19, $0.0e+00;
	v12 =	vadd.f32 v12, v17;
	v17 =	vld [tilespmem:s23+$0x1F0]  }
0x58: {  	v20 =	vld [tilespmem:s25+$0x2980];
	[tilespmem:s23+$0x180] =	vst v19;
	v18 =	vmax.f32 v18, $0.0e+00;
	v11 =	vadd.f32 v11, v16  }
0x59: {  	v21 =	vld [tilespmem:s25+$0x2990];
	[tilespmem:s23+$0x190] =	vst v18;
	v16 =	vmax.f32 v12, $0.0e+00;
	v10 =	vadd.f32 v10, v15  }
0x5a: {  	v12 =	vld [tilespmem:s25+$0x29A0];
	[tilespmem:s23+$0x1A0] =	vst v16;
	v15 =	vmax.f32 v11, $0.0e+00;
	v9 =	vadd.f32 v9, v14  }
0x5b: {  	v11 =	vld [tilespmem:s25+$0x29B0];
	[tilespmem:s23+$0x1B0] =	vst v15;
	v14 =	vmax.f32 v10, $0.0e+00;
	v8 =	vadd.f32 v8, v13  }
0x5c: {  	v10 =	vld [tilespmem:s25+$0x29C0];
	[tilespmem:s23+$0x1C0] =	vst v14;
	v13 =	vmax.f32 v9, $0.0e+00;
	v7 =	vadd.f32 v7, v17  }
0x5d: {  	v9 =	vld [tilespmem:s25+$0x29D0];
	[tilespmem:s23+$0x1D0] =	vst v13;
	v13 =	vmax.f32 v8, $0.0e+00  }
0x5e: {  	v8 =	vld [tilespmem:s25+$0x29E0];
	[tilespmem:s23+$0x1E0] =	vst v13;
	v13 =	vmax.f32 v7, $0.0e+00  }
0x5f: {  	v7 =	vld [tilespmem:s25+$0x29F0];
	[tilespmem:s23+$0x1F0] =	vst v13;
	s23 =	smov.u32 s25  }
0x60: {  	v13 =	vld [tilespmem:s23+$0x180]  }
0x61: {  	v18 =	vld [tilespmem:s23+$0x190]  }
.Ltmp1:
0x62: {  	v17 =	vld [tilespmem:s23+$0x1A0];
	(pc) =	sbr.rel @p0 .LBB2_5-.Ltmp1, $4  }
0x63: {  	v16 =	vld [tilespmem:s23+$0x1B0]  }
0x64: {  	v15 =	vld [tilespmem:s23+$0x1C0]  }
0x65: {  	v19 =	vadd.f32 v20, v13;
	v14 =	vld [tilespmem:s23+$0x1D0]  }
0x66: {  	s24 =	sadd.s32 $0x200, s24;
	v18 =	vadd.f32 v21, v18;
	v13 =	vld [tilespmem:s23+$0x1E0]  }
0x67: {  	v19 =	vmax.f32 v19, $0.0e+00;
	v12 =	vadd.f32 v12, v17;
	v63 =	vld [tilespmem:s23+$0x1F0]  }
0x68: {  	[tilespmem:s23+$0x180] =	vst v19;
	v18 =	vmax.f32 v18, $0.0e+00;
	v11 =	vadd.f32 v11, v16  }
0x69: {  	[tilespmem:s23+$0x190] =	vst v18;
	v12 =	vmax.f32 v12, $0.0e+00;
	v10 =	vadd.f32 v10, v15  }
0x6a: {  	[tilespmem:s23+$0x1A0] =	vst v12;
	v11 =	vmax.f32 v11, $0.0e+00;
	v9 =	vadd.f32 v9, v14  }
0x6b: {  	[tilespmem:s23+$0x1B0] =	vst v11;
	v10 =	vmax.f32 v10, $0.0e+00;
	v8 =	vadd.f32 v8, v13  }
0x6c: {  	[tilespmem:s23+$0x1C0] =	vst v10;
	v9 =	vmax.f32 v9, $0.0e+00;
	v7 =	vadd.f32 v7, v63  }
0x6d: {  	s22 =	sadd.s32 $0x1, s22;
	[tilespmem:s23+$0x1D0] =	vst v9;
	v8 =	vmax.f32 v8, $0.0e+00  }
0x6e: {  	p0 =	sne.s32 s22, $0xFA;
	[tilespmem:s23+$0x1E0] =	vst v8;
	v7 =	vmax.f32 v7, $0.0e+00  }
.Ltmp2:
0x6f: {  	[tilespmem:s23+$0x1F0] =	vst v7;
	(pc) =	sbr.rel @p0 .LBB2_4-.Ltmp2, $4  }
0x70: {  	[spmem:s1] =	stream.indirect.scatter.add.f32 [tilespmem:s15], [sflag:$0x1], $0x80, s18, s16, $0xb8;
	[tilespmem:$0x19980] =	vst v63  }
0x71: {  	_ =	swait.ge [sflag:s13], $0x2800  }
0x72: {  	[sflag:s13] =	ssyncset.done $0x0  }
0x73: {  	[sflag:s13] =	ssyncadd.s32 $0xFFFFD800  }
0x74: {  	s3 =	sadd.s32 $0x1, s3  }
0x75: {  	p0 =	sne.s32 s3, s11  }
.Ltmp3:
0x76: {  	[bflag:$0x0] =	sbarrier.arrive $0xFFFF;
	(pc) =	sbr.rel @p0 .LBB2_1-.Ltmp3, $4  }
0x77: {  	[hbm:s10], [sflag:s19] =	dma.local [spmem:s20], $0x1400  }
0x78: {  	_ =	swait.ge [sflag:s13], $0x1400  }
0x79: {  	[sflag:s13] =	ssyncset.done $0x0  }
0x7a: {  	[sflag:s13] =	ssyncadd.s32 $0xFFFFEC00  }
0x7b: {  	_ =	sfence.sel $0x180000  }
0x7c: {  	[bflag:$0x0] =	sbarrier.arrive $0xFFFF  }
0x7d: {  	p0 =	sne.s32 s2, $0x0;
	_ =	strace $0x90000047  }
0x7e: {  	s0 =	sadd.s32 @!p0 $0x100000, s0;
	[bflag:$0x2] =	sbarrier.arrive $0xFFFF  }
0x7f: {  	[sflag:s0] =	ssyncadd.tile.s32 @!p0 $0x1;
	_ =	shalt  }
.Lfunc_end2:
_tile_overlayer_lowered:
.L_overlay_start_2:
0x80: {  	(tag) =	ssettag $0x2  }
0x81: {  	s0 =	rddreg [dreg:$0x0];
	s2 =	stileid.u32  }
0x82: {  	s1 =	rddreg [dreg:$0x1];
	p0 =	sne.s32 s2, $0x0  }
0x83: {  	s3 =	rddreg [dreg:$0x2];
	[bflag:$0x3] =	sbarrier.arrive $0xFFFF;
	s2 =	simm.s32 @!p0 $0x1C01  }
0x84: {  	[timem:s3], [sflag:s2] =	dma.local @!p0 [hbm:s0], s1  }
0x85: {  	s0 =	simm.s32 @!p0 $0x1  }
0x86: {  	_ =	swait.ge @!p0 [sflag:s0], s1  }
0x87: {  	s1 =	ssub.s32 @!p0 $0x0, s1;
	[sflag:s0] =	ssyncset.done @!p0 $0x0  }
0x88: {  	[sflag:s0] =	ssyncadd.s32 @!p0 s1  }
0x89: {  	[bflag:$0x3] =	sbarrier.arrive $0xFFFF  }
0x8a: {  	_ =	shalt  }

// kernel: kernel.14.cloned.1.call-start
scs
__scs_entry_jumppad:
0x0: {  	(pc) =	sbr.rel $0x88, $3  }
0x1: {  	(tag) =	ssettag $0x0;
	lr =	simm.s32 $0x1  }
0x2: {  	[smem:$0x3F8D] =	sst lr;
	_ =	strace $0xD0000000  }
0x3: {  	_ = 	snop  }
0x4: {  	_ = 	snop  }
0x5: {  	_ = 	snop  }
0x6: {  	_ = 	snop  }
0x7: {  	_ = 	snop  }
__scs_overlays_trampoline_lowered:
0x8: {  	[smem:$0x3F9C] =	sst s0  }
0x9: {  	[smem:$0x3F9D] =	sst s1  }
0xa: {  	[smem:$0x3F9E] =	sst s2  }
0xb: {  	[smem:$0x3F9F] =	sst s3  }
0xc: {  	[smem:$0x3FA0] =	sst s4  }
0xd: {  	[smem:$0x3FA1] =	sst s5  }
0xe: {  	[smem:$0x3FA2] =	sst s6  }
0xf: {  	[smem:$0x3FA3] =	sst s7  }
0x10: {  	[smem:$0x3FA4] =	sst s8  }
0x11: {  	[smem:$0x3FA5] =	sst s9;
	s0 =	simm.s32 @!p0 $0x0  }
0x12: {  	s1 =	sld [smem:$0x3F8B];
	s0 =	simm.s32 @p0 $0x1  }
0x13: {  	[smem:$0x3FA6] =	sst s0;
	s0 =	simm.s32 @!p1 $0x0  }
0x14: {  	s2 =	sld [smem:$0x3F8A];
	s0 =	simm.s32 @p1 $0x1  }
0x15: {  	[smem:$0x3FA7] =	sst s0;
	s0 =	simm.s32 @!p2 $0x0  }
0x16: {  	s3 =	sld [smem:$0x3FDB];
	s0 =	simm.s32 @p2 $0x1  }
0x17: {  	s4 =	simm.s32 $0x1BF5;
	[smem:$0x3FA9] =	sst s0  }
0x18: {  	s0 =	sld [smem:$0x3F8C];
	_ =	swait.ge [sflag:s4], $0x0  }
0x19: {  	s7 =	sld [smem:$0x3F8D]  }
0x1a: {  	s8 =	sadd.s32 $0xFFFFE003, lr  }
0x1b: {  	s9 =	sadd.s32 $0xFFFFFEF7, lr;
	s5 =	simm.s32 $0xFFFFFFFF;
	p2 =	slt.u32 s8, $0xFFFFF086  }
0x1c: {  	p1 =	slt.u32 s9, $0xF7A;
	s5 =	simm.s32 @!p2 $0x0  }
0x1d: {  	s5 =	simm.s32 @p1 $0x1;
	p0 =	seq.s32 s7, s2  }
0x1e: {  	s7 =	smul.u32 @!p0 $0xF7A, s2;
	p2 =	seq.s32 @!p0 s5, $0x0  }
0x1f: {  	s9 =	smul.u32 $0xF7A, s1;
	s8 =	simm.s32 @!p0 $0x1BF5;
	p2 =	por !p2, p0  }
0x20: {  	[sflag:s8] =	ssyncset.s32 @!p0 $0xFFFFF086;
	s6 =	sadd.s32 @!p0 s3, s7;
	s7 =	simm.s32 @!p0 $0x108  }
0x21: {  	s3 =	sadd.s32 s3, s9;
	s6 =	sadd.s32 @!p0 $0x88, s6;
	s7 =	simm.s32 @p2 $0x1082  }
0x22: {  	[simem:s7], [sflag:s8] =	dma.local @!p0 [hbm:s6], $0xF7A  }
0x23: {  	s9 =	sor.u32 $0xD0000000, s2;
	s6 =	simm.s32 $0x108;
	_ =	swait.ge @!p0 [sflag:s8], $0x0  }
0x24: {  	s3 =	sadd.s32 $0x88, s3;
	s6 =	simm.s32 @!p1 $0x1082;
	[sflag:s4] =	ssyncset.s32 $0xFFFFF086  }
0x25: {  	[simem:s6], [sflag:s4] =	dma.local [hbm:s3], $0xF7A  }
0x26: {  	[smem:$0x3F8D] =	sst s1;
	(tag) =	ssettag s2;
	_ =	strace s9  }
0x27: {  	s1 =	sld [smem:$0x3F9D]  }
0x28: {  	s2 =	sld [smem:$0x3F9E]  }
0x29: {  	s4 =	sld [smem:$0x3FA0]  }
0x2a: {  	p0 =	seq.s32 s5, $0x0;
	s5 =	sld [smem:$0x3FA1]  }
0x2b: {  	s6 =	sld [smem:$0x3FA2]  }
0x2c: {  	s7 =	sld [smem:$0x3FA3]  }
0x2d: {  	s3 =	simm.s32 $0x108;
	s8 =	sld [smem:$0x3FA4]  }
0x2e: {  	s3 =	simm.s32 @!p0 $0x1082;
	s9 =	sld [smem:$0x3FA5]  }
0x2f: {  	lr =	sadd.s32 s0, s3;
	s0 =	sld [smem:$0x3F9C]  }
0x30: {  	s3 =	sld [smem:$0x3F9F]  }
0x31: {  	[smem:$0x3FA8] =	sst s10  }
0x32: {  	s10 =	sld [smem:$0x3FA6];
	_ =	sdelay $0x3  }
0x33: {  	p0 =	seq.s32 s10, $0x1;
	s10 =	sld [smem:$0x3FA8];
	_ =	sdelay $0x3  }
0x34: {  	[smem:$0x3FA8] =	sst s10  }
0x35: {  	s10 =	sld [smem:$0x3FA7];
	_ =	sdelay $0x3  }
0x36: {  	p1 =	seq.s32 s10, $0x1;
	s10 =	sld [smem:$0x3FA8];
	_ =	sdelay $0x3  }
0x37: {  	[smem:$0x3FA8] =	sst s10  }
0x38: {  	s10 =	sld [smem:$0x3FA9]  }
0x39: {  	_ = 	snop;
	(pc) =	sbr.ind lr, $3  }
0x3a: {  	_ = 	snop  }
0x3b: {  	_ = 	snop  }
0x3c: {  	p2 =	seq.s32 s10, $0x1;
	s10 =	sld [smem:$0x3FA8]  }
0x3d: {  	_ =	shalt  }
0x3e: {  	_ =	shalt  }
0x3f: {  	_ =	shalt  }
0x40: {  	_ =	shalt  }
0x41: {  	_ =	shalt  }
0x42: {  	_ =	shalt  }
0x43: {  	_ =	shalt  }
0x44: {  	_ =	shalt  }
0x45: {  	_ =	shalt  }
0x46: {  	_ =	shalt  }
0x47: {  	_ =	shalt  }
0x48: {  	_ =	shalt  }
0x49: {  	_ =	shalt  }
0x4a: {  	_ =	shalt  }
0x4b: {  	_ =	shalt  }
0x4c: {  	_ =	shalt  }
0x4d: {  	_ =	shalt  }
0x4e: {  	_ =	shalt  }
0x4f: {  	_ =	shalt  }
0x50: {  	_ =	shalt  }
0x51: {  	_ =	shalt  }
0x52: {  	_ =	shalt  }
0x53: {  	_ =	shalt  }
0x54: {  	_ =	shalt  }
0x55: {  	_ =	shalt  }
0x56: {  	_ =	shalt  }
0x57: {  	_ =	shalt  }
0x58: {  	_ =	shalt  }
0x59: {  	_ =	shalt  }
0x5a: {  	_ =	shalt  }
0x5b: {  	_ =	shalt  }
0x5c: {  	_ =	shalt  }
0x5d: {  	_ =	shalt  }
0x5e: {  	_ =	shalt  }
0x5f: {  	_ =	shalt  }
0x60: {  	_ =	shalt  }
0x61: {  	_ =	shalt  }
0x62: {  	_ =	shalt  }
0x63: {  	_ =	shalt  }
0x64: {  	_ =	shalt  }
0x65: {  	_ =	shalt  }
0x66: {  	_ =	shalt  }
0x67: {  	_ =	shalt  }
0x68: {  	_ =	shalt  }
0x69: {  	_ =	shalt  }
0x6a: {  	_ =	shalt  }
0x6b: {  	_ =	shalt  }
0x6c: {  	_ =	shalt  }
0x6d: {  	_ =	shalt  }
0x6e: {  	_ =	shalt  }
0x6f: {  	_ =	shalt  }
0x70: {  	_ =	shalt  }
0x71: {  	_ =	shalt  }
0x72: {  	_ =	shalt  }
0x73: {  	_ =	shalt  }
0x74: {  	_ =	shalt  }
0x75: {  	_ =	shalt  }
0x76: {  	_ =	shalt  }
0x77: {  	_ =	shalt  }
0x78: {  	_ =	shalt  }
0x79: {  	_ =	shalt  }
0x7a: {  	_ =	shalt  }
0x7b: {  	_ =	shalt  }
0x7c: {  	_ =	shalt  }
0x7d: {  	_ =	shalt  }
0x7e: {  	_ =	shalt  }
0x7f: {  	_ =	shalt  }
0x80: {  	_ =	shalt  }
0x81: {  	_ =	shalt  }
0x82: {  	_ =	shalt  }
0x83: {  	_ =	shalt  }
0x84: {  	_ =	shalt  }
0x85: {  	_ =	shalt  }
0x86: {  	_ =	shalt  }
0x87: {  	_ =	shalt  }
.Lfunc_end0:
.L_simem_size_0:
called_computation.1_lowered:
.L_overlay_start_0:
0x88: {  	s2 =	sld [smem:$0x3FD9]  }
0x89: {  	s3 =	sld [smem:$0x3FFE];
	_ =	sdelay $0x1  }
0x8a: {  	s1 =	srdreg.scid  }
0x8b: {  	s0 =	sand.u32 $0x1, s1  }
0x8c: {  	s16 =	sshll.u32 s0, $0xA;
	s2 =	sadd.s32 s3, s2  }
0x8d: {  	s2 =	sadd.s32 s2, s16  }
0x8e: {  	[smem:$0x3FB4] =	sst s2  }
0x8f: {  	_ = 	snop  }
0x90: {  	(tm) =	ssettm $0x1  }
0x91: {  	s17 =	sld [smem:$0x3FFB];
	_ =	sdelay $0x3  }
0x92: {  	_ =	strace s17  }
0x93: {  	s2 =	sld [smem:$0x3FFC];
	_ =	sdelay $0x3  }
0x94: {  	_ =	strace s2  }
0x95: {  	s2 =	sld [smem:$0x3FFD];
	_ =	sdelay $0x3  }
0x96: {  	_ =	strace s2  }
0x97: {  	_ =	strace $0x8FFFFFFF  }
0x98: {  	s18 =	sld [smem:$0x3FDB];
	_ =	sdelay $0x1  }
0x99: {  	s19 =	simm.s32 $_scs_section_size  }
0x9a: {  	s4 =	simm.s32 $_size__tile_overlayer_lowered;
	s5 =	simm.s32 $_tile_overlayer_lowered  }
0x9b: {  	s22 =	simm.s32 $0x1BFF;
	s21 =	sshll.u32 s5, $0x1;
	s2 =	sadd.s32 s19, s18  }
0x9c: {  	s6 =	simm.s32 $0x0;
	s20 =	sshll.u32 s4, $0x1;
	s4 =	sadd.s32 s21, s2  }
0x9d: {  	[timem:s6], [sflag:s22] =	dma.local [hbm:s4], s20  }
0x9e: {  	_ =	swait.ge [sflag:s22], s20  }
0x9f: {  	s3 =	ssub.s32 $0x0, s20;
	[sflag:s22] =	ssyncset.done $0x0  }
0xa0: {  	[sflag:s22] =	ssyncadd.s32 s3;
	_ =	sdelay $0x1  }
0xa1: {  	s23 =	simm.s32 $0x1B8B  }
0xa2: {  	_ =	swait.ge [sflag:s23], $0x1  }
0xa3: {  	[sflag:s23] =	ssyncset.done $0x0  }
0xa4: {  	s25 =	simm.s32 $0x1B8E;
	s24 =	sld [smem:$0x3FFE];
	[sflag:s23] =	ssyncadd.s32 $0xFFFFFFFF  }
0xa5: {  	s26 =	simm.s32 $execute0_lowered;
	[smem:$0x3FD2] =	sst s25  }
0xa6: {  	s4 =	sshll.u32 s26, $0x1;
	_ =	strace $0x80000049;
	[dreg:$0x1] =	wrdreg $0xFFFFFFFF  }
0xa7: {  	s28 =	simm.s32 $_size_execute0_lowered;
	s2 =	sadd.s32 s2, s4;
	[dreg:$0x0] =	wrdreg $0x0  }
0xa8: {  	s4 =	sshll.u32 s28, $0x1;
	[dreg:$0x2] =	wrdreg s2  }
0xa9: {  	[dreg:$0x3] =	wrdreg s4  }
0xaa: {  	[dreg:$0x4] =	wrdreg $0xC0  }
0xab: {  	_ =	task [dreg:s6], $0x5FFFF  }
0xac: {  	[dreg:$0x1] =	wrdreg $0xFFFFFFFF  }
0xad: {  	[dreg:$0x0] =	wrdreg $0x60  }
0xae: {  	[dreg:$0x2] =	wrdreg s24  }
0xaf: {  	[dreg:$0x3] =	wrdreg $0xF5800  }
0xb0: {  	[dreg:$0x4] =	wrdreg $0x9  }
0xb1: {  	_ =	task.clear_ibuf [dreg:s6], $0x5FFFF;
	_ =	strace $0x90000049  }
0xb2: {  	s29 =	simm.s32 $0x9;
	_ =	strace $0x8000004B  }
0xb3: {  	_ =	swait.ge [sflag:s29], $0x1  }
0xb4: {  	[sflag:s29] =	ssyncadd.s32 $0xFFFFFFFF  }
0xb5: {  	_ =	strace $0x9000004B  }
0xb6: {  	_ =	sfence  }
0xb7: {  	s30 =	sld [smem:$0x0];
	_ =	sdelay $0x2  }
0xb8: {  	s31 =	sshll.u32 s1, $0xD;
	s1 =	sshrl.u32 s1, $0x2  }
0xb9: {  	s3 =	sand.u32 $0x4000, s31;
	s1 =	sadd.s32 s1, s30  }
0xba: {  	s0 =	sor.u32 s3, s0;
	s1 =	sshll.u32 s1, $0x11  }
0xbb: {  	s0 =	sor.u32 s1, s0  }
0xbc: {  	s0 =	sadd.s32 $0x8F2B, s0  }
0xbd: {  	[sflag:s0] =	ssyncadd.remote.s32 $0x1  }
0xbe: {  	_ =	sfence.sel $0xFFFF  }
0xbf: {  	[dreg:$0x0] =	wrdreg $0xFFFFFFFF;
	(pc) =	sbr.abs _section_cstart, $3  }
0xc0: {  	[dreg:$0x1] =	wrdreg $0xFFFFFFFF  }
0xc1: {  	_ =	task.clear_ibuf [dreg:s6], $0x2FFFF;
	_ =	strace $0x9FFFFFFF  }
0xc2: {  	(tm) =	ssettm $0x7FFFFFFF  }
0xc3: {  	_ =	shalt  }
tec
execute0_lowered:
.L_overlay_start_1:
0x0: {  	(tag) =	ssettag $0x1  }
0x1: {  	s8 =	rddreg [dreg:$0x0]  }
0x2: {  	s1 =	rddreg [dreg:$0x1]  }
0x3: {  	s0 =	rddreg [dreg:$0x2];
	s3 =	simm.s32 $0x0  }
0x4: {  	s2 =	srdreg.scid;
	s15 =	simm.s32 $0x180;
	s16 =	simm.s32 $0x50  }
0x5: {  	s17 =	simm.s32 $0x2980;
	s18 =	simm.s32 $0x80;
	s7 =	sand.u32 $0x1, s2  }
0x6: {  	s2 =	stileid.u32;
	s4 =	sadd.s32 $0x520A00, s8;
	s13 =	smul.u32 $0x1400, s7  }
0x7: {  	[smem:$0x7FF] =	sst s3;
	s5 =	sadd.s32 $0x548A00, s8;
	s9 =	smul.u32 $0x140, s2  }
0x8: {  	s6 =	sadd.s32 $0x3C00, s8;
	_ =	strace $0x8000004A;
	s10 =	smul.u32 $0x29000, s2  }
0x9: {  	s11 =	ssub.s32 $0x2, s7;
	s12 =	smul.u32 $0x28000, s2;
	s19 =	sshll.u32 s2, $0x6  }
0xa: {  	s7 =	sadd.s32 $0x516C00, s8;
	s29 =	sshrl.u32 s11, $0x1;
	s19 =	sor.u32 $0x1C01, s19  }
0xb: {  	s9 =	sadd.s32 s9, s13;
	s11 =	ssub.s32 s11, s29;
	s30 =	sshrl.u32 s10, $0x2  }
0xc: {  	s31 =	sshrl.u32 s12, $0x2;
	s12 =	simm.s32 $0x5180;
	v0 =	vmov s13;
	s13 =	simm.s32 $0x1  }
0xd: {  	v6 =	vlaneseq.u32;
	s9 =	sshll.u32 s9, $0x4;
	s20 =	sadd.s32 s31, s1;
	s11 =	smax.u32 s11, $0x1  }
0xe: {  	v1 =	vimm.f32 $0.0e+00;
	v2 =	vor.u32 $0x1400, v6;
	v3 =	vor.u32 $0x1410, v6;
	s14 =	sadd.s32 s9, s8;
	s8 =	sadd.s32 s30, s1;
	s9 =	smul.u32 $0x4E20, s2  }
0xf: {  	v4 =	vor.u32 $0x1420, v6;
	v5 =	vor.u32 $0x1430, v6;
	v6 =	vor.u32 $0x1440, v6;
	s20 =	sshrl.u32 s20, $0x3;
	s10 =	sadd.s32 $0xDA00, s14;
	s14 =	simm.s32 $0x100  }
.LBB2_1:
0x10: {  	s21 =	simm.s32 $0x0;
	s22 =	simm.s32 $0x200  }
.LBB2_2:
0x11: {  	p0 =	sne.s32 s22, $0x28E00;
	[tilespmem:s21+$0x51F0] =	vst v1  }
0x12: {  	[tilespmem:s21+$0x5180] =	vst v1  }
0x13: {  	[tilespmem:s21+$0x5190] =	vst v1  }
.Ltmp0:
0x14: {  	[tilespmem:s21+$0x51A0] =	vst v1;
	(pc) =	sbr.rel @p0 .LBB2_2-.Ltmp0, $4  }
0x15: {  	[tilespmem:s21+$0x51B0] =	vst v1  }
0x16: {  	[tilespmem:s21+$0x51C0] =	vst v1  }
0x17: {  	[tilespmem:s21+$0x51D0] =	vst v1  }
0x18: {  	[tilespmem:s21+$0x51E0] =	vst v1;
	s21 =	sshra.s32 s22, $0x2;
	s22 =	sadd.s32 $0x200, s22  }
0x19: {  	[tilespmem:s21+$0x51F0] =	vst v1  }
0x1a: {  	[tilespmem:s21+$0x5180] =	vst v1  }
0x1b: {  	[tilespmem:s21+$0x5190] =	vst v1  }
0x1c: {  	[tilespmem:s21+$0x51A0] =	vst v1  }
0x1d: {  	[tilespmem:s21+$0x51B0] =	vst v1  }
0x1e: {  	[tilespmem:s21+$0x51C0] =	vst v1  }
0x1f: {  	[tilespmem:s21+$0x51D0] =	vst v1  }
0x20: {  	[tilespmem:s21+$0x51E0] =	vst v1  }
0x21: {  	[spmem:s8] =	stream.linear.scatter [tilespmem:s12], [sflag:$0x1], $0xA400, $0x38;
	[tilespmem:$0x19980] =	vst v63  }
0x22: {  	_ =	swait.ge [sflag:s13], $0xA400  }
0x23: {  	[sflag:s13] =	ssyncset.done $0x0  }
0x24: {  	[sflag:s13] =	ssyncadd.s32 $0xFFFF5C00  }
0x25: {  	s21 =	simm.s32 $0x0;
	s22 =	simm.s32 $0x0;
	[bflag:$0x0] =	sbarrier.arrive $0xFFFF  }
.LBB2_4:
0x26: {  	s23 =	smul.u32 $0x50, s22;
	_ =	sdelay $0x1  }
0x27: {  	s23 =	sadd.s32 s9, s23  }
0x28: {  	s24 =	sshrl.u32 s23, $0x3  }
0x29: {  	s25 =	sadd.s32 s6, s24  }
0x2a: {  	[tilespmem:s21], [sflag:$0x1] =	stream.linear.gather [hbm4b:s25+s21], $0x50, $0x38;
	[tilespmem:$0x19980] =	vst v63  }
0x2b: {  	_ =	swait.ge [sflag:s13], $0x50  }
0x2c: {  	[sflag:s13] =	ssyncset.done $0x0  }
0x2d: {  	s24 =	sadd.s32 s7, s24;
	[sflag:s13] =	ssyncadd.s32 $0xFFFFFFB0  }
0x2e: {  	[tilespmem:s14], [sflag:$0x1] =	stream.linear.gather [hbm4b:s24+s21], $0x50, $0x38;
	[tilespmem:$0x19980] =	vst v63  }
0x2f: {  	_ =	swait.ge [sflag:s13], $0x50  }
0x30: {  	s23 =	sshll.u32 s23, $0x4;
	[sflag:s13] =	ssyncset.done $0x0  }
0x31: {  	s23 =	sadd.s32 s5, s23;
	[sflag:s13] =	ssyncadd.s32 $0xFFFFFFB0  }
0x32: {  	[tilespmem:s15], [sflag:$0x1] =	stream.linear.gather [hbm4b:s23+s21], $0x2800, $0x38;
	[tilespmem:$0x19980] =	vst v63  }
0x33: {  	_ =	swait.ge [sflag:s13], $0x2800  }
0x34: {  	[sflag:s13] =	ssyncset.done $0x0  }
0x35: {  	[sflag:s13] =	ssyncadd.s32 $0xFFFFD800  }
0x36: {  	[tilespmem:s17], [sflag:$0x1] =	stream.indirect.gather [hbm4b:s4+s16], $0x80, s21, s16, $0xb8;
	[tilespmem:$0x19980] =	vst v63  }
0x37: {  	_ =	swait.ge [sflag:s13], $0x2800  }
0x38: {  	[sflag:s13] =	ssyncset.done $0x0  }
0x39: {  	[sflag:s13] =	ssyncadd.s32 $0xFFFFD800  }
0x3a: {  	v7 =	vld [tilespmem:$0x100]  }
0x3b: {  	v8 =	vld [tilespmem:$0x110]  }
0x3c: {  	v9 =	vld [tilespmem:$0x120]  }
0x3d: {  	v10 =	vld [tilespmem:$0x130];
	_ =	sdelay $0x2  }
0x3e: {  	v11 =	vld [tilespmem:$0x140]  }
0x3f: {  	v7 =	vshrl.u32 v7, $0x2;
	v8 =	vshrl.u32 v8, $0x2  }
0x40: {  	v9 =	vshrl.u32 v9, $0x2;
	v10 =	vshrl.u32 v10, $0x2;
	v7 =	vsub.s32 v7, v0  }
0x41: {  	v8 =	vsub.s32 v8, v0;
	v9 =	vsub.s32 v9, v0;
	vm0 =	vlt.u32 v7, $0x1400  }
0x42: {  	vm12 =	vlt.u32 v8, $0x1400;
	vm13 =	vlt.u32 v9, $0x1400;
	v7 =	vsel vm0, v7, v2  }
0x43: {  	v8 =	vsel vm12, v8, v3;
	[tilespmem:$0x80] =	vst v7;
	v7 =	vsub.s32 v10, v0;
	v10 =	vshrl.u32 v11, $0x2  }
0x44: {  	[tilespmem:$0x90] =	vst v8;
	v8 =	vsel vm13, v9, v4;
	vm14 =	vlt.u32 v7, $0x1400;
	v9 =	vsub.s32 v10, v0  }
0x45: {  	[tilespmem:$0xA0] =	vst v8;
	v7 =	vsel vm14, v7, v5;
	vm15 =	vlt.u32 v9, $0x1400  }
0x46: {  	[tilespmem:$0xB0] =	vst v7;
	v7 =	vsel vm15, v9, v6  }
0x47: {  	s23 =	simm.s32 $0x0;
	[tilespmem:$0xC0] =	vst v7  }
0x48: {  	v13 =	vld [tilespmem:s23+$0x2980]  }
0x49: {  	v18 =	vld [tilespmem:s23+$0x2990]  }
0x4a: {  	v12 =	vld [tilespmem:s23+$0x29A0]  }
0x4b: {  	v11 =	vld [tilespmem:s23+$0x29B0]  }
0x4c: {  	v10 =	vld [tilespmem:s23+$0x29C0]  }
0x4d: {  	v9 =	vld [tilespmem:s23+$0x29D0]  }
0x4e: {  	v8 =	vld [tilespmem:s23+$0x29E0]  }
0x4f: {  	v7 =	vld [tilespmem:s23+$0x29F0]  }
0x50: {  	v19 =	vld [tilespmem:s23+$0x180]  }
0x51: {  	v20 =	vld [tilespmem:s23+$0x190]  }
0x52: {  	v17 =	vld [tilespmem:s23+$0x1A0]  }
0x53: {  	v16 =	vld [tilespmem:s23+$0x1B0]  }
0x54: {  	v15 =	vld [tilespmem:s23+$0x1C0]  }
0x55: {  	v14 =	vld [tilespmem:s23+$0x1D0];
	v19 =	vadd.f32 v13, v19  }
0x56: {  	s24 =	simm.s32 $0x200;
	v18 =	vadd.f32 v18, v20;
	v13 =	vld [tilespmem:s23+$0x1E0]  }
.LBB2_5:
0x57: {  	s25 =	sshra.s32 s24, $0x2;
	p0 =	sne.s32 s24, $0x9E00;
	v19 =	vmax.f32 v19, $0.0e+00;
	v12 =	vadd.f32 v12, v17;
	v17 =	vld [tilespmem:s23+$0x1F0]  }
0x58: {  	v20 =	vld [tilespmem:s25+$0x2980];
	[tilespmem:s23+$0x180] =	vst v19;
	v18 =	vmax.f32 v18, $0.0e+00;
	v11 =	vadd.f32 v11, v16  }
0x59: {  	v21 =	vld [tilespmem:s25+$0x2990];
	[tilespmem:s23+$0x190] =	vst v18;
	v16 =	vmax.f32 v12, $0.0e+00;
	v10 =	vadd.f32 v10, v15  }
0x5a: {  	v12 =	vld [tilespmem:s25+$0x29A0];
	[tilespmem:s23+$0x1A0] =	vst v16;
	v15 =	vmax.f32 v11, $0.0e+00;
	v9 =	vadd.f32 v9, v14  }
0x5b: {  	v11 =	vld [tilespmem:s25+$0x29B0];
	[tilespmem:s23+$0x1B0] =	vst v15;
	v14 =	vmax.f32 v10, $0.0e+00;
	v8 =	vadd.f32 v8, v13  }
0x5c: {  	v10 =	vld [tilespmem:s25+$0x29C0];
	[tilespmem:s23+$0x1C0] =	vst v14;
	v13 =	vmax.f32 v9, $0.0e+00;
	v7 =	vadd.f32 v7, v17  }
0x5d: {  	v9 =	vld [tilespmem:s25+$0x29D0];
	[tilespmem:s23+$0x1D0] =	vst v13;
	v13 =	vmax.f32 v8, $0.0e+00  }
0x5e: {  	v8 =	vld [tilespmem:s25+$0x29E0];
	[tilespmem:s23+$0x1E0] =	vst v13;
	v13 =	vmax.f32 v7, $0.0e+00  }
0x5f: {  	v7 =	vld [tilespmem:s25+$0x29F0];
	[tilespmem:s23+$0x1F0] =	vst v13;
	s23 =	smov.u32 s25  }
0x60: {  	v13 =	vld [tilespmem:s23+$0x180]  }
0x61: {  	v18 =	vld [tilespmem:s23+$0x190]  }
.Ltmp1:
0x62: {  	v17 =	vld [tilespmem:s23+$0x1A0];
	(pc) =	sbr.rel @p0 .LBB2_5-.Ltmp1, $4  }
0x63: {  	v16 =	vld [tilespmem:s23+$0x1B0]  }
0x64: {  	v15 =	vld [tilespmem:s23+$0x1C0]  }
0x65: {  	v19 =	vadd.f32 v20, v13;
	v14 =	vld [tilespmem:s23+$0x1D0]  }
0x66: {  	s24 =	sadd.s32 $0x200, s24;
	v18 =	vadd.f32 v21, v18;
	v13 =	vld [tilespmem:s23+$0x1E0]  }
0x67: {  	v19 =	vmax.f32 v19, $0.0e+00;
	v12 =	vadd.f32 v12, v17;
	v63 =	vld [tilespmem:s23+$0x1F0]  }
0x68: {  	[tilespmem:s23+$0x180] =	vst v19;
	v18 =	vmax.f32 v18, $0.0e+00;
	v11 =	vadd.f32 v11, v16  }
0x69: {  	[tilespmem:s23+$0x190] =	vst v18;
	v12 =	vmax.f32 v12, $0.0e+00;
	v10 =	vadd.f32 v10, v15  }
0x6a: {  	[tilespmem:s23+$0x1A0] =	vst v12;
	v11 =	vmax.f32 v11, $0.0e+00;
	v9 =	vadd.f32 v9, v14  }
0x6b: {  	[tilespmem:s23+$0x1B0] =	vst v11;
	v10 =	vmax.f32 v10, $0.0e+00;
	v8 =	vadd.f32 v8, v13  }
0x6c: {  	[tilespmem:s23+$0x1C0] =	vst v10;
	v9 =	vmax.f32 v9, $0.0e+00;
	v7 =	vadd.f32 v7, v63  }
0x6d: {  	s22 =	sadd.s32 $0x1, s22;
	[tilespmem:s23+$0x1D0] =	vst v9;
	v8 =	vmax.f32 v8, $0.0e+00  }
0x6e: {  	p0 =	sne.s32 s22, $0xFA;
	[tilespmem:s23+$0x1E0] =	vst v8;
	v7 =	vmax.f32 v7, $0.0e+00  }
.Ltmp2:
0x6f: {  	[tilespmem:s23+$0x1F0] =	vst v7;
	(pc) =	sbr.rel @p0 .LBB2_4-.Ltmp2, $4  }
0x70: {  	[spmem:s1] =	stream.indirect.scatter.add.f32 [tilespmem:s15], [sflag:$0x1], $0x80, s18, s16, $0xb8;
	[tilespmem:$0x19980] =	vst v63  }
0x71: {  	_ =	swait.ge [sflag:s13], $0x2800  }
0x72: {  	[sflag:s13] =	ssyncset.done $0x0  }
0x73: {  	[sflag:s13] =	ssyncadd.s32 $0xFFFFD800  }
0x74: {  	s3 =	sadd.s32 $0x1, s3  }
0x75: {  	p0 =	sne.s32 s3, s11  }
.Ltmp3:
0x76: {  	[bflag:$0x0] =	sbarrier.arrive $0xFFFF;
	(pc) =	sbr.rel @p0 .LBB2_1-.Ltmp3, $4  }
0x77: {  	[hbm:s10], [sflag:s19] =	dma.local [spmem:s20], $0x1400  }
0x78: {  	_ =	swait.ge [sflag:s13], $0x1400  }
0x79: {  	[sflag:s13] =	ssyncset.done $0x0  }
0x7a: {  	[sflag:s13] =	ssyncadd.s32 $0xFFFFEC00  }
0x7b: {  	_ =	sfence.sel $0x180000  }
0x7c: {  	[bflag:$0x0] =	sbarrier.arrive $0xFFFF  }
0x7d: {  	p0 =	sne.s32 s2, $0x0;
	_ =	strace $0x9000004A  }
0x7e: {  	s0 =	sadd.s32 @!p0 $0x100000, s0;
	[bflag:$0x2] =	sbarrier.arrive $0xFFFF  }
0x7f: {  	[sflag:s0] =	ssyncadd.tile.s32 @!p0 $0x1;
	_ =	shalt  }
.Lfunc_end2:
_tile_overlayer_lowered:
.L_overlay_start_2:
0x80: {  	(tag) =	ssettag $0x2  }
0x81: {  	s0 =	rddreg [dreg:$0x0];
	s2 =	stileid.u32  }
0x82: {  	s1 =	rddreg [dreg:$0x1];
	p0 =	sne.s32 s2, $0x0  }
0x83: {  	s3 =	rddreg [dreg:$0x2];
	[bflag:$0x3] =	sbarrier.arrive $0xFFFF;
	s2 =	simm.s32 @!p0 $0x1C01  }
0x84: {  	[timem:s3], [sflag:s2] =	dma.local @!p0 [hbm:s0], s1  }
0x85: {  	s0 =	simm.s32 @!p0 $0x1  }
0x86: {  	_ =	swait.ge @!p0 [sflag:s0], s1  }
0x87: {  	s1 =	ssub.s32 @!p0 $0x0, s1;
	[sflag:s0] =	ssyncset.done @!p0 $0x0  }
0x88: {  	[sflag:s0] =	ssyncadd.s32 @!p0 s1  }
0x89: {  	[bflag:$0x3] =	sbarrier.arrive $0xFFFF  }
0x8a: {  	_ =	shalt  }

</sc_bundles>
